<compile_context>
chip_gen: v7x
topology: tpu7x:2x2x1
jax: 0.10.2.dev20260603
libtpu: 0.0.44.dev20260713+nightly
codegen_flags: <defaults>
</compile_context>

<pallas_src>
import functools

import jax
import jax.numpy as jnp
import numpy as np
from jax import lax
from jax.experimental import pallas as pl
from jax.experimental.pallas import tpu as pltpu
from jax.experimental.pallas import tpu_sc as plsc

_BUCKET_SIZE = 512
_HX = np.int32(73856093)
_HY = np.int32(19349663)
_HZ = np.int32(83492791)
_HB = np.int32(-1640531527)
_DUMP = 2048


def _bucket_ids(x, y, z, pid, sep_scalars, multv, n_buckets):
  one = jnp.ones((16,), jnp.int32)
  zero = jnp.zeros((16,), jnp.int32)
  qx = x.astype(jnp.int32)
  qx = qx - jnp.where(qx.astype(jnp.float32) > x, one, zero)
  qy = y.astype(jnp.int32)
  qy = qy - jnp.where(qy.astype(jnp.float32) > y, one, zero)
  qz = z.astype(jnp.int32)
  qz = qz - jnp.where(qz.astype(jnp.float32) > z, one, zero)
  h = (qx * _HX) ^ (qy * _HY) ^ (qz * _HZ)
  batch = zero
  for s in sep_scalars:
    batch = batch + jnp.where(pid >= s, one, zero)
  h = h ^ (batch * multv)
  return h & jnp.int32(n_buckets - 1)


@functools.lru_cache(maxsize=None)
def _build(n, n_buckets, nsep, nc, ns):
  nw = nc * ns
  pts_w = n // nw
  chunk = 2048
  nchunk = pts_w // chunk
  vpc = chunk // 16
  bkt_w = n_buckets // nw
  pad_to = n
  mesh = plsc.VectorSubcoreMesh(core_axis_name="c", subcore_axis_name="s")
  cparams = pltpu.CompilerParams(needs_layout_passes=False)

  @functools.partial(
      pl.kernel,
      out_type=(
          jax.ShapeDtypeStruct((n,), jnp.int32),
          jax.ShapeDtypeStruct((nw, n_buckets), jnp.int32),
      ),
      mesh=mesh,
      compiler_params=cparams,
      scratch_types=[
          pltpu.VMEM((16,), jnp.int32),
          pltpu.VMEM((16,), jnp.int32),
          pltpu.VMEM((chunk,), jnp.float32),
          pltpu.VMEM((chunk,), jnp.float32),
          pltpu.VMEM((chunk,), jnp.float32),
          pltpu.VMEM((chunk,), jnp.int32),
          pltpu.VMEM((16 * n_buckets,), jnp.int32),
          pltpu.VMEM((n_buckets,), jnp.int32),
      ],
  )
  def k_hist(xs, ys, zs, sepsv, mv, bid_hbm, hist_hbm,
             sv, mvv, xc, yc, zc, bst, table, hred):
    cid = lax.axis_index("c")
    sid = lax.axis_index("s")
    w = sid * nc + cid
    base_w = w * pts_w
    iota = jnp.arange(16, dtype=jnp.int32)
    pltpu.sync_copy(sepsv, sv)
    pltpu.sync_copy(mv, mvv)
    svv = sv[...]
    seps = [svv[j] for j in range(nsep)]
    multv = mvv[...]

    @pl.loop(0, 16 * n_buckets // 16)
    def _(v):
      table[pl.ds(v * 16, 16)] = jnp.zeros((16,), jnp.int32)

    @pl.loop(0, nchunk)
    def _(c):
      off = base_w + c * chunk
      pltpu.sync_copy(xs.at[pl.ds(off, chunk)], xc)
      pltpu.sync_copy(ys.at[pl.ds(off, chunk)], yc)
      pltpu.sync_copy(zs.at[pl.ds(off, chunk)], zc)

      @pl.loop(0, vpc)
      def _(v):
        x = xc[pl.ds(v * 16, 16)]
        y = yc[pl.ds(v * 16, 16)]
        z = zc[pl.ds(v * 16, 16)]
        pid = off + v * 16 + iota
        b = _bucket_ids(x, y, z, pid, seps, multv, n_buckets)
        bst[pl.ds(v * 16, 16)] = b
        plsc.addupdate_scatter(table, [iota * n_buckets + b],
                               jnp.ones((16,), jnp.int32))

      pltpu.sync_copy(bst, bid_hbm.at[pl.ds(off, chunk)])

    @pl.loop(0, n_buckets // 16)
    def _(v):
      acc = jnp.zeros((16,), jnp.int32)
      for l in range(16):
        acc = acc + table[pl.ds(l * n_buckets + v * 16, 16)]
      hred[pl.ds(v * 16, 16)] = acc

    pltpu.sync_copy(hred, hist_hbm.at[w])

  @functools.partial(
      pl.kernel,
      out_type=(
          jax.ShapeDtypeStruct((n,), jnp.int32),
          jax.ShapeDtypeStruct((pad_to + 64, 16), jnp.float32),
          jax.ShapeDtypeStruct((n_buckets,), jnp.int32),
      ),
      mesh=mesh,
      compiler_params=pltpu.CompilerParams(needs_layout_passes=False,
                                           use_tc_tiling_on_sc=False),
      scratch_types=[
          pltpu.VMEM((nw, n_buckets), jnp.int32),
          pltpu.VMEM((n_buckets,), jnp.int32),
          pltpu.VMEM((n_buckets + 16,), jnp.int32),
          pltpu.VMEM((chunk,), jnp.int32),
          pltpu.VMEM((chunk,), jnp.float32),
          pltpu.VMEM((chunk,), jnp.float32),
          pltpu.VMEM((chunk,), jnp.float32),
          pltpu.VMEM((chunk,), jnp.int32),
          pltpu.VMEM((chunk,), jnp.int32),
          pltpu.VMEM((chunk, 16), jnp.float32),
          pltpu.SemaphoreType.DMA,
      ],
  )
  def k_scatter(bid_hbm, xs, ys, zs, hist_hbm,
                sidx_hbm, wide_hbm, bcnt_hbm,
                rows, cnts, tot, bidc, xc, yc, zc, sst, tst, stage,
                sem1):
    cid = lax.axis_index("c")
    sid = lax.axis_index("s")
    w = sid * nc + cid
    base_w = w * pts_w
    iota = jnp.arange(16, dtype=jnp.int32)

    pltpu.sync_copy(hist_hbm, rows)

    @pl.loop(0, n_buckets // 16)
    def _(v):
      acc = jnp.zeros((16,), jnp.int32)

      def add_row(r, a):
        return a + rows[r, pl.ds(v * 16, 16)]

      acc = lax.fori_loop(0, w, add_row, acc)
      cnts[pl.ds(v * 16, 16)] = acc
      acc = lax.fori_loop(w, nw, add_row, acc)
      tot[pl.ds(v * 16, 16)] = acc

    pltpu.sync_copy(tot.at[pl.ds(w * bkt_w, bkt_w)],
                    bcnt_hbm.at[pl.ds(w * bkt_w, bkt_w)])

    @pl.loop(0, nchunk)
    def _(c):
      off = base_w + c * chunk
      pltpu.sync_copy(bid_hbm.at[pl.ds(off, chunk)], bidc)
      pltpu.sync_copy(xs.at[pl.ds(off, chunk)], xc)
      pltpu.sync_copy(ys.at[pl.ds(off, chunk)], yc)
      pltpu.sync_copy(zs.at[pl.ds(off, chunk)], zc)

      @pl.loop(0, vpc)
      def _(v):
        b = bidc[pl.ds(v * 16, 16)]
        cnt, lastm = plsc.scan_count(b)
        g = plsc.load_gather(cnts, [b])
        plsc.store_scatter(cnts, [b], g + cnt, mask=lastm)
        grank = g + cnt - 1
        valid = grank < _BUCKET_SIZE
        pos = b * _BUCKET_SIZE + grank
        sst[pl.ds(v * 16, 16)] = jnp.where(valid, pos, -1)
        dump = pad_to + ((v * 16 + iota) & 63)
        tst[pl.ds(v * 16, 16)] = jnp.where(valid, pos, dump)
        rowv = v * 16 + iota
        plsc.store_scatter(stage, [rowv, iota * 0], xc[pl.ds(v * 16, 16)])
        plsc.store_scatter(stage, [rowv, iota * 0 + 1], yc[pl.ds(v * 16, 16)])
        plsc.store_scatter(stage, [rowv, iota * 0 + 2], zc[pl.ds(v * 16, 16)])

      pltpu.async_copy(stage, wide_hbm.at[tst], sem1).wait()
      pltpu.sync_copy(sst, sidx_hbm.at[pl.ds(off, chunk)])

  rows_b = _BUCKET_SIZE // 8

  def _clean_body(x_ref, cnt_ref, o_ref):
    r0 = lax.broadcasted_iota(jnp.int32, (rows_b, 128), 0)
    r1 = lax.broadcasted_iota(jnp.int32, (rows_b, 128), 1)
    rank = r0 * 8 + jnp.right_shift(r1, 4)
    mask = rank < cnt_ref[...].reshape(1, 1)
    o_ref[...] = jnp.where(mask, x_ref[...], jnp.zeros_like(rank, jnp.float32))

  k_clean = pl.pallas_call(
      _clean_body,
      grid=(n_buckets,),
      in_specs=[pl.BlockSpec((rows_b, 128), lambda i: (i, 0)),
                pl.BlockSpec((1, 1, 1), lambda i: (i, 0, 0))],
      out_specs=pl.BlockSpec((rows_b, 128), lambda i: (i, 0)),
      out_shape=jax.ShapeDtypeStruct((n_buckets * rows_b, 128), jnp.float32),
  )

  return k_hist, k_scatter, k_clean


def kernel(coords, seps, hash_op):
  n = coords.shape[0]
  bs = _BUCKET_SIZE
  pad_to = ((n + bs - 1) // bs) * bs
  n_buckets = pad_to // bs
  nsep = seps.shape[0]
  info = plsc.get_sparse_core_info()
  nc, ns = info.num_cores, info.num_subcores

  xs = coords[:, 0]
  ys = coords[:, 1]
  zs = coords[:, 2]
  seps16 = jnp.full((16,), np.int32(2**31 - 1), jnp.int32)
  seps16 = seps16.at[:nsep].set(seps.astype(jnp.int32))
  mult = jnp.where(jnp.asarray(hash_op) != 0, _HB, np.int32(0))
  mult16 = jnp.broadcast_to(mult.astype(jnp.int32), (16,))

  k_hist, k_scatter, k_clean = _build(n, n_buckets, nsep, nc, ns)
  bid, hist = k_hist(xs, ys, zs, seps16, mult16)
  sidx, wide, bcnt = k_scatter(bid, xs, ys, zs, hist)
  wide128 = wide.reshape((pad_to + 64) * 16 // 128, 128)
  clean = k_clean(wide128, bcnt.reshape(n_buckets, 1, 1))
  scattered = clean.reshape(pad_to, 16)[:, :3]
  return scattered, sidx, bcnt

# --- scband reference (transcript-rebuilt; emitter-appended) ---
"""Pipeline reference for scband-pshscatter-layer-12627203851177 (READ-ONLY COPY).

The authoritative reference and input builder live on the scoring server;
editing this copy changes nothing except your own understanding.
"""

import jax, jax.numpy as jnp
import numpy as np

BUCKET_SIZE = 512
N_POINTS = 1048576
N_BATCH_SEPS = 9


def setup_inputs(seed: int = 0) -> dict:
    key = jax.random.key(seed)
    k1, k2 = jax.random.split(key)
    coords = jax.random.uniform(k1, (N_POINTS, 3), dtype=jnp.float32) * 100.0
    seps = jnp.sort(jax.random.randint(k2, (N_BATCH_SEPS,), 0, N_POINTS, dtype=jnp.int32))
    return {"coords": coords, "seps": seps, "hash_op": 1}


def reference(coords, seps, hash_op):
    """Batch bucket scatter pad (perfect-spatial-hash style).

    Points are hashed (spatial hash, optionally mixed with batch id chosen by
    hash_op) into n_buckets buckets; points are sorted by bucket id and
    scattered into a padded [pad_to, 3] layout where each bucket owns a
    contiguous bucket_size slot range. Points overflowing a bucket are dropped.
    Returns (scattered_coord, scatter_index, bucket_counts).
    """
    bs = BUCKET_SIZE
    N = coords.shape[0]
    pad_to = ((N + bs - 1) // bs) * bs
    n_buckets = pad_to // bs

    point_idx = jnp.arange(N, dtype=jnp.int32)
    batch_id = jnp.searchsorted(seps, point_idx, side="right").astype(jnp.int32)

    q = jnp.floor(coords).astype(jnp.int32)
    h = (q[:, 0] * np.int32(73856093)) ^ (q[:, 1] * np.int32(19349663)) ^ (q[:, 2] * np.int32(83492791))
    h_mixed = h ^ (batch_id * np.int32(-1640531527))
    h = jnp.where(jnp.asarray(hash_op) != 0, h_mixed, h)
    bucket_id = jnp.mod(h, n_buckets).astype(jnp.int32)

    order = jnp.argsort(bucket_id)
    sorted_bid = bucket_id[order]
    sorted_coords = coords[order]

    bucket_start = jnp.searchsorted(sorted_bid, sorted_bid, side="left")
    rank = jnp.arange(N, dtype=jnp.int32) - bucket_start.astype(jnp.int32)
    valid = rank < bs
    pos = sorted_bid * bs + rank
    pos = jnp.where(valid, pos, pad_to)  # out-of-range -> dropped

    scattered_coord = jnp.zeros((pad_to, 3), dtype=coords.dtype).at[pos].set(sorted_coords, mode="drop")

    inv_order = jnp.argsort(order)
    scatter_index = jnp.where(valid, pos, -1)[inv_order]
    bucket_counts = jnp.bincount(bucket_id, length=n_buckets)

    return scattered_coord, scatter_index, bucket_counts

if __name__ == "__main__":
    import jax
    _d = setup_inputs()
    print(jax.jit(kernel)(*tuple(_d.values())))

</pallas_src>

<mosaic_0001>
#map = affine_map<(d0, d1) -> (0)>
#map1 = affine_map<(d0, d1) -> (0, 0)>
module attributes {stable_mosaic.version = 14 : i64} {
  func.func @k_hist(%arg0: i32, %arg1: i32, %arg2: memref<1048576xf32, #tpu.memory_space<hbm>>, %arg3: memref<1048576xf32, #tpu.memory_space<hbm>>, %arg4: memref<1048576xf32, #tpu.memory_space<hbm>>, %arg5: memref<16xi32, #tpu.memory_space<hbm>>, %arg6: memref<16xi32, #tpu.memory_space<hbm>>, %arg7: memref<1048576xi32, #tpu.memory_space<hbm>>, %arg8: memref<32x2048xi32, #tpu.memory_space<hbm>>, %arg9: memref<16xi32, #tpu.memory_space<vmem>>, %arg10: memref<16xi32, #tpu.memory_space<vmem>>, %arg11: memref<2048xf32, #tpu.memory_space<vmem>>, %arg12: memref<2048xf32, #tpu.memory_space<vmem>>, %arg13: memref<2048xf32, #tpu.memory_space<vmem>>, %arg14: memref<2048xi32, #tpu.memory_space<vmem>>, %arg15: memref<32768xi32, #tpu.memory_space<vmem>>, %arg16: memref<2048xi32, #tpu.memory_space<vmem>>) attributes {dimension_semantics = [#tpu.dimension_semantics<core_parallel>, #tpu.dimension_semantics<subcore_parallel>], iteration_bounds = array<i64: 2, 16>, scalar_prefetch = 0 : i64, scratch_operands = 8 : i64, tpu.core_type = #tpu.core_type<sc_vector_subcore>, window_params = [{transform_indices = #map}, {transform_indices = #map}, {transform_indices = #map}, {transform_indices = #map}, {transform_indices = #map}, {transform_indices = #map}, {transform_indices = #map1}]} {
    %mul3A = arith.constant 2 : i32
    %mul3A_0 = arith.muli %arg1, %mul3A : i32
    %add3A = arith.addi %mul3A_0, %arg0 : i32
    %mul3A_1 = arith.constant 32768 : i32
    %mul3A_2 = arith.muli %add3A, %mul3A_1 : i32
    %iota3A = tpu.iota {dimensions = array<i32: 0>} : vector<16xi32>
    "tpu.region"() ({
      %run_scoped3A = tpu.sem_alloc : memref<!tpu.dma_semaphore, #tpu.memory_space<semaphore_mem>>
      tpu.enqueue_dma source(%arg5 : memref<16xi32, #tpu.memory_space<hbm>>) target(%arg9 : memref<16xi32, #tpu.memory_space<vmem>>) target_semaphore(%run_scoped3A : memref<!tpu.dma_semaphore, #tpu.memory_space<semaphore_mem>>)
      tpu.wait_dma2 semaphore(%run_scoped3A : memref<!tpu.dma_semaphore, #tpu.memory_space<semaphore_mem>>) src(%arg5 : memref<16xi32, #tpu.memory_space<hbm>>) dst(%arg9 : memref<16xi32, #tpu.memory_space<vmem>>)
      tpu.yield
    }) : () -> ()
    "tpu.region"() ({
      %run_scoped3A = tpu.sem_alloc : memref<!tpu.dma_semaphore, #tpu.memory_space<semaphore_mem>>
      tpu.enqueue_dma source(%arg6 : memref<16xi32, #tpu.memory_space<hbm>>) target(%arg10 : memref<16xi32, #tpu.memory_space<vmem>>) target_semaphore(%run_scoped3A : memref<!tpu.dma_semaphore, #tpu.memory_space<semaphore_mem>>)
      tpu.wait_dma2 semaphore(%run_scoped3A : memref<!tpu.dma_semaphore, #tpu.memory_space<semaphore_mem>>) src(%arg6 : memref<16xi32, #tpu.memory_space<hbm>>) dst(%arg10 : memref<16xi32, #tpu.memory_space<vmem>>)
      tpu.yield
    }) : () -> ()
    %get3A = arith.constant 0 : index
    %get3A_3 = tpu.vector_load %arg9[%get3A] {strides = array<i32>} : memref<16xi32, #tpu.memory_space<vmem>>, vector<16xi32>,
    %slice3A = vector.extract_strided_slice %get3A_3 {offsets = [0], sizes = [1], strides = [1]} : vector<16xi32> to vector<1xi32>
    %squeeze3A = vector.extract %slice3A[0] : i32 from vector<1xi32>
    %slice3A_4 = vector.extract_strided_slice %get3A_3 {offsets = [1], sizes = [1], strides = [1]} : vector<16xi32> to vector<1xi32>
    %squeeze3A_5 = vector.extract %slice3A_4[0] : i32 from vector<1xi32>
    %slice3A_6 = vector.extract_strided_slice %get3A_3 {offsets = [2], sizes = [1], strides = [1]} : vector<16xi32> to vector<1xi32>
    %squeeze3A_7 = vector.extract %slice3A_6[0] : i32 from vector<1xi32>
    %slice3A_8 = vector.extract_strided_slice %get3A_3 {offsets = [3], sizes = [1], strides = [1]} : vector<16xi32> to vector<1xi32>
    %squeeze3A_9 = vector.extract %slice3A_8[0] : i32 from vector<1xi32>
    %slice3A_10 = vector.extract_strided_slice %get3A_3 {offsets = [4], sizes = [1], strides = [1]} : vector<16xi32> to vector<1xi32>
    %squeeze3A_11 = vector.extract %slice3A_10[0] : i32 from vector<1xi32>
    %slice3A_12 = vector.extract_strided_slice %get3A_3 {offsets = [5], sizes = [1], strides = [1]} : vector<16xi32> to vector<1xi32>
    %squeeze3A_13 = vector.extract %slice3A_12[0] : i32 from vector<1xi32>
    %slice3A_14 = vector.extract_strided_slice %get3A_3 {offsets = [6], sizes = [1], strides = [1]} : vector<16xi32> to vector<1xi32>
    %squeeze3A_15 = vector.extract %slice3A_14[0] : i32 from vector<1xi32>
    %slice3A_16 = vector.extract_strided_slice %get3A_3 {offsets = [7], sizes = [1], strides = [1]} : vector<16xi32> to vector<1xi32>
    %squeeze3A_17 = vector.extract %slice3A_16[0] : i32 from vector<1xi32>
    %slice3A_18 = vector.extract_strided_slice %get3A_3 {offsets = [8], sizes = [1], strides = [1]} : vector<16xi32> to vector<1xi32>
    %squeeze3A_19 = vector.extract %slice3A_18[0] : i32 from vector<1xi32>
    %get3A_20 = arith.constant 0 : index
    %get3A_21 = tpu.vector_load %arg10[%get3A_20] {strides = array<i32>} : memref<16xi32, #tpu.memory_space<vmem>>, vector<16xi32>,
    %scan3A = arith.constant 0 : i32
    %scan3A_22 = arith.constant 2048 : i32
    %scan3A_23 = arith.addi %scan3A, %scan3A_22 : i32
    %scan3A_24 = arith.constant 1 : i32
    scf.for %scan3A_36 = %scan3A to %scan3A_23 step %scan3A_24  : i32 {
      %mul3A_37 = arith.constant 1 : i32
      %mul3A_38 = arith.muli %scan3A_36, %mul3A_37 : i32
      %add3A_39 = arith.constant 0 : i32
      %add3A_40 = arith.addi %add3A_39, %mul3A_38 : i32
      %broadcast_in_dim3A = arith.constant 0 : i32
      %broadcast_in_dim3A_41 = vector.broadcast %broadcast_in_dim3A : i32 to vector<16xi32>
      %mul3A_42 = arith.constant 16 : i32
      %mul3A_43 = arith.muli %add3A_40, %mul3A_42 : i32
      %swap3A = arith.index_cast %mul3A_43 : i32 to index
      %swap3A_44 = tpu.vector_load %arg15[%swap3A] {strides = array<i32>} : memref<32768xi32, #tpu.memory_space<vmem>>, vector<16xi32>,
      tpu.vector_store %arg15[%swap3A], %broadcast_in_dim3A_41 {strides = array<i32>} : memref<32768xi32, #tpu.memory_space<vmem>>, vector<16xi32>,
    }
    %scan3A_25 = arith.constant 2048 : i32
    %scan3A_26 = arith.constant 0 : i32
    %scan3A_27 = arith.constant 16 : i32
    %scan3A_28 = arith.addi %scan3A_26, %scan3A_27 : i32
    %scan3A_29 = arith.constant 1 : i32
    scf.for %scan3A_36 = %scan3A_26 to %scan3A_28 step %scan3A_29  : i32 {
      %mul3A_37 = arith.constant 1 : i32
      %mul3A_38 = arith.muli %scan3A_36, %mul3A_37 : i32
      %add3A_39 = arith.constant 0 : i32
      %add3A_40 = arith.addi %add3A_39, %mul3A_38 : i32
      %mul3A_41 = arith.constant 2048 : i32
      %mul3A_42 = arith.muli %add3A_40, %mul3A_41 : i32
      %add3A_43 = arith.addi %mul3A_2, %mul3A_42 : i32
      "tpu.region"() ({
        %run_scoped3A = tpu.sem_alloc : memref<!tpu.dma_semaphore, #tpu.memory_space<semaphore_mem>>
        %dma_start3A = tpu.memref_slice %arg2[%add3A_43] : memref<1048576xf32, #tpu.memory_space<hbm>> -> memref<2048xf32, #tpu.memory_space<hbm>>
        %dma_start3A_49 = tpu.memref_slice %arg2[%add3A_43] : memref<1048576xf32, #tpu.memory_space<hbm>> -> memref<2048xf32, #tpu.memory_space<hbm>>
        tpu.enqueue_dma source(%dma_start3A_49 : memref<2048xf32, #tpu.memory_space<hbm>>) target(%arg11 : memref<2048xf32, #tpu.memory_space<vmem>>) target_semaphore(%run_scoped3A : memref<!tpu.dma_semaphore, #tpu.memory_space<semaphore_mem>>)
        %dma_wait3A = tpu.memref_slice %arg2[%add3A_43] : memref<1048576xf32, #tpu.memory_space<hbm>> -> memref<2048xf32, #tpu.memory_space<hbm>>
        %dma_wait3A_50 = tpu.memref_slice %arg2[%add3A_43] : memref<1048576xf32, #tpu.memory_space<hbm>> -> memref<2048xf32, #tpu.memory_space<hbm>>
        tpu.wait_dma2 semaphore(%run_scoped3A : memref<!tpu.dma_semaphore, #tpu.memory_space<semaphore_mem>>) src(%dma_wait3A_50 : memref<2048xf32, #tpu.memory_space<hbm>>) dst(%arg11 : memref<2048xf32, #tpu.memory_space<vmem>>)
        tpu.yield
      }) : () -> ()
      "tpu.region"() ({
        %run_scoped3A = tpu.sem_alloc : memref<!tpu.dma_semaphore, #tpu.memory_space<semaphore_mem>>
        %dma_start3A = tpu.memref_slice %arg3[%add3A_43] : memref<1048576xf32, #tpu.memory_space<hbm>> -> memref<2048xf32, #tpu.memory_space<hbm>>
        %dma_start3A_49 = tpu.memref_slice %arg3[%add3A_43] : memref<1048576xf32, #tpu.memory_space<hbm>> -> memref<2048xf32, #tpu.memory_space<hbm>>
        tpu.enqueue_dma source(%dma_start3A_49 : memref<2048xf32, #tpu.memory_space<hbm>>) target(%arg12 : memref<2048xf32, #tpu.memory_space<vmem>>) target_semaphore(%run_scoped3A : memref<!tpu.dma_semaphore, #tpu.memory_space<semaphore_mem>>)
        %dma_wait3A = tpu.memref_slice %arg3[%add3A_43] : memref<1048576xf32, #tpu.memory_space<hbm>> -> memref<2048xf32, #tpu.memory_space<hbm>>
        %dma_wait3A_50 = tpu.memref_slice %arg3[%add3A_43] : memref<1048576xf32, #tpu.memory_space<hbm>> -> memref<2048xf32, #tpu.memory_space<hbm>>
        tpu.wait_dma2 semaphore(%run_scoped3A : memref<!tpu.dma_semaphore, #tpu.memory_space<semaphore_mem>>) src(%dma_wait3A_50 : memref<2048xf32, #tpu.memory_space<hbm>>) dst(%arg12 : memref<2048xf32, #tpu.memory_space<vmem>>)
        tpu.yield
      }) : () -> ()
      "tpu.region"() ({
        %run_scoped3A = tpu.sem_alloc : memref<!tpu.dma_semaphore, #tpu.memory_space<semaphore_mem>>
        %dma_start3A = tpu.memref_slice %arg4[%add3A_43] : memref<1048576xf32, #tpu.memory_space<hbm>> -> memref<2048xf32, #tpu.memory_space<hbm>>
        %dma_start3A_49 = tpu.memref_slice %arg4[%add3A_43] : memref<1048576xf32, #tpu.memory_space<hbm>> -> memref<2048xf32, #tpu.memory_space<hbm>>
        tpu.enqueue_dma source(%dma_start3A_49 : memref<2048xf32, #tpu.memory_space<hbm>>) target(%arg13 : memref<2048xf32, #tpu.memory_space<vmem>>) target_semaphore(%run_scoped3A : memref<!tpu.dma_semaphore, #tpu.memory_space<semaphore_mem>>)
        %dma_wait3A = tpu.memref_slice %arg4[%add3A_43] : memref<1048576xf32, #tpu.memory_space<hbm>> -> memref<2048xf32, #tpu.memory_space<hbm>>
        %dma_wait3A_50 = tpu.memref_slice %arg4[%add3A_43] : memref<1048576xf32, #tpu.memory_space<hbm>> -> memref<2048xf32, #tpu.memory_space<hbm>>
        tpu.wait_dma2 semaphore(%run_scoped3A : memref<!tpu.dma_semaphore, #tpu.memory_space<semaphore_mem>>) src(%dma_wait3A_50 : memref<2048xf32, #tpu.memory_space<hbm>>) dst(%arg13 : memref<2048xf32, #tpu.memory_space<vmem>>)
        tpu.yield
      }) : () -> ()
      %scan3A_44 = arith.constant 0 : i32
      %scan3A_45 = arith.constant 128 : i32
      %scan3A_46 = arith.addi %scan3A_44, %scan3A_45 : i32
      %scan3A_47 = arith.constant 1 : i32
      scf.for %scan3A_49 = %scan3A_44 to %scan3A_46 step %scan3A_47  : i32 {
        %mul3A_50 = arith.constant 1 : i32
        %mul3A_51 = arith.muli %scan3A_49, %mul3A_50 : i32
        %add3A_52 = arith.constant 0 : i32
        %add3A_53 = arith.addi %add3A_52, %mul3A_51 : i32
        %mul3A_54 = arith.constant 16 : i32
        %mul3A_55 = arith.muli %add3A_53, %mul3A_54 : i32
        %get3A_56 = arith.index_cast %mul3A_55 : i32 to index
        %get3A_57 = tpu.vector_load %arg11[%get3A_56] {strides = array<i32>} : memref<2048xf32, #tpu.memory_space<vmem>>, vector<16xf32>,
        %mul3A_58 = arith.constant 16 : i32
        %mul3A_59 = arith.muli %add3A_53, %mul3A_58 : i32
        %get3A_60 = arith.index_cast %mul3A_59 : i32 to index
        %get3A_61 = tpu.vector_load %arg12[%get3A_60] {strides = array<i32>} : memref<2048xf32, #tpu.memory_space<vmem>>, vector<16xf32>,
        %mul3A_62 = arith.constant 16 : i32
        %mul3A_63 = arith.muli %add3A_53, %mul3A_62 : i32
        %get3A_64 = arith.index_cast %mul3A_63 : i32 to index
        %get3A_65 = tpu.vector_load %arg13[%get3A_64] {strides = array<i32>} : memref<2048xf32, #tpu.memory_space<vmem>>, vector<16xf32>,
        %mul3A_66 = arith.constant 16 : i32
        %mul3A_67 = arith.muli %add3A_53, %mul3A_66 : i32
        %add3A_68 = arith.addi %add3A_43, %mul3A_67 : i32
        %add3A_69 = vector.broadcast %add3A_68 : i32 to vector<16xi32>
        %add3A_70 = arith.addi %add3A_69, %iota3A : vector<16xi32>
        %broadcast_in_dim3A = arith.constant 1 : i32
        %broadcast_in_dim3A_71 = vector.broadcast %broadcast_in_dim3A : i32 to vector<16xi32>
        %broadcast_in_dim3A_72 = arith.constant 0 : i32
        %broadcast_in_dim3A_73 = vector.broadcast %broadcast_in_dim3A_72 : i32 to vector<16xi32>
        %convert_element_type3A = arith.fptosi %get3A_57 : vector<16xf32> to vector<16xi32>
        %convert_element_type3A_74 = arith.sitofp %convert_element_type3A : vector<16xi32> to vector<16xf32>
        %gt3A = arith.cmpf ogt, %convert_element_type3A_74, %get3A_57 : vector<16xf32>
        %select_n3A = arith.select %gt3A, %broadcast_in_dim3A_71, %broadcast_in_dim3A_73 : vector<16xi1>, vector<16xi32>
        %sub3A = arith.subi %convert_element_type3A, %select_n3A : vector<16xi32>
        %convert_element_type3A_75 = arith.fptosi %get3A_61 : vector<16xf32> to vector<16xi32>
        %convert_element_type3A_76 = arith.sitofp %convert_element_type3A_75 : vector<16xi32> to vector<16xf32>
        %gt3A_77 = arith.cmpf ogt, %convert_element_type3A_76, %get3A_61 : vector<16xf32>
        %select_n3A_78 = arith.select %gt3A_77, %broadcast_in_dim3A_71, %broadcast_in_dim3A_73 : vector<16xi1>, vector<16xi32>
        %sub3A_79 = arith.subi %convert_element_type3A_75, %select_n3A_78 : vector<16xi32>
        %convert_element_type3A_80 = arith.fptosi %get3A_65 : vector<16xf32> to vector<16xi32>
        %convert_element_type3A_81 = arith.sitofp %convert_element_type3A_80 : vector<16xi32> to vector<16xf32>
        %gt3A_82 = arith.cmpf ogt, %convert_element_type3A_81, %get3A_65 : vector<16xf32>
        %select_n3A_83 = arith.select %gt3A_82, %broadcast_in_dim3A_71, %broadcast_in_dim3A_73 : vector<16xi1>, vector<16xi32>
        %sub3A_84 = arith.subi %convert_element_type3A_80, %select_n3A_83 : vector<16xi32>
        %mul3A_85 = arith.constant 73856093 : i32
        %mul3A_86 = vector.broadcast %mul3A_85 : i32 to vector<16xi32>
        %mul3A_87 = arith.muli %sub3A, %mul3A_86 : vector<16xi32>
        %mul3A_88 = arith.constant 19349663 : i32
        %mul3A_89 = vector.broadcast %mul3A_88 : i32 to vector<16xi32>
        %mul3A_90 = arith.muli %sub3A_79, %mul3A_89 : vector<16xi32>
        %xor3A = arith.xori %mul3A_87, %mul3A_90 : vector<16xi32>
        %mul3A_91 = arith.constant 83492791 : i32
        %mul3A_92 = vector.broadcast %mul3A_91 : i32 to vector<16xi32>
        %mul3A_93 = arith.muli %sub3A_84, %mul3A_92 : vector<16xi32>
        %xor3A_94 = arith.xori %xor3A, %mul3A_93 : vector<16xi32>
        %ge3A = vector.broadcast %squeeze3A : i32 to vector<16xi32>
        %ge3A_95 = arith.cmpi sge, %add3A_70, %ge3A : vector<16xi32>
        %select_n3A_96 = arith.select %ge3A_95, %broadcast_in_dim3A_71, %broadcast_in_dim3A_73 : vector<16xi1>, vector<16xi32>
        %add3A_97 = arith.addi %broadcast_in_dim3A_73, %select_n3A_96 : vector<16xi32>
        %ge3A_98 = vector.broadcast %squeeze3A_5 : i32 to vector<16xi32>
        %ge3A_99 = arith.cmpi sge, %add3A_70, %ge3A_98 : vector<16xi32>
        %select_n3A_100 = arith.select %ge3A_99, %broadcast_in_dim3A_71, %broadcast_in_dim3A_73 : vector<16xi1>, vector<16xi32>
        %add3A_101 = arith.addi %add3A_97, %select_n3A_100 : vector<16xi32>
        %ge3A_102 = vector.broadcast %squeeze3A_7 : i32 to vector<16xi32>
        %ge3A_103 = arith.cmpi sge, %add3A_70, %ge3A_102 : vector<16xi32>
        %select_n3A_104 = arith.select %ge3A_103, %broadcast_in_dim3A_71, %broadcast_in_dim3A_73 : vector<16xi1>, vector<16xi32>
        %add3A_105 = arith.addi %add3A_101, %select_n3A_104 : vector<16xi32>
        %ge3A_106 = vector.broadcast %squeeze3A_9 : i32 to vector<16xi32>
        %ge3A_107 = arith.cmpi sge, %add3A_70, %ge3A_106 : vector<16xi32>
        %select_n3A_108 = arith.select %ge3A_107, %broadcast_in_dim3A_71, %broadcast_in_dim3A_73 : vector<16xi1>, vector<16xi32>
        %add3A_109 = arith.addi %add3A_105, %select_n3A_108 : vector<16xi32>
        %ge3A_110 = vector.broadcast %squeeze3A_11 : i32 to vector<16xi32>
        %ge3A_111 = arith.cmpi sge, %add3A_70, %ge3A_110 : vector<16xi32>
        %select_n3A_112 = arith.select %ge3A_111, %broadcast_in_dim3A_71, %broadcast_in_dim3A_73 : vector<16xi1>, vector<16xi32>
        %add3A_113 = arith.addi %add3A_109, %select_n3A_112 : vector<16xi32>
        %ge3A_114 = vector.broadcast %squeeze3A_13 : i32 to vector<16xi32>
        %ge3A_115 = arith.cmpi sge, %add3A_70, %ge3A_114 : vector<16xi32>
        %select_n3A_116 = arith.select %ge3A_115, %broadcast_in_dim3A_71, %broadcast_in_dim3A_73 : vector<16xi1>, vector<16xi32>
        %add3A_117 = arith.addi %add3A_113, %select_n3A_116 : vector<16xi32>
        %ge3A_118 = vector.broadcast %squeeze3A_15 : i32 to vector<16xi32>
        %ge3A_119 = arith.cmpi sge, %add3A_70, %ge3A_118 : vector<16xi32>
        %select_n3A_120 = arith.select %ge3A_119, %broadcast_in_dim3A_71, %broadcast_in_dim3A_73 : vector<16xi1>, vector<16xi32>
        %add3A_121 = arith.addi %add3A_117, %select_n3A_120 : vector<16xi32>
        %ge3A_122 = vector.broadcast %squeeze3A_17 : i32 to vector<16xi32>
        %ge3A_123 = arith.cmpi sge, %add3A_70, %ge3A_122 : vector<16xi32>
        %select_n3A_124 = arith.select %ge3A_123, %broadcast_in_dim3A_71, %broadcast_in_dim3A_73 : vector<16xi1>, vector<16xi32>
        %add3A_125 = arith.addi %add3A_121, %select_n3A_124 : vector<16xi32>
        %ge3A_126 = vector.broadcast %squeeze3A_19 : i32 to vector<16xi32>
        %ge3A_127 = arith.cmpi sge, %add3A_70, %ge3A_126 : vector<16xi32>
        %select_n3A_128 = arith.select %ge3A_127, %broadcast_in_dim3A_71, %broadcast_in_dim3A_73 : vector<16xi1>, vector<16xi32>
        %add3A_129 = arith.addi %add3A_125, %select_n3A_128 : vector<16xi32>
        %mul3A_130 = arith.muli %add3A_129, %get3A_21 : vector<16xi32>
        %xor3A_131 = arith.xori %xor3A_94, %mul3A_130 : vector<16xi32>
        %and3A = arith.constant 2047 : i32
        %and3A_132 = vector.broadcast %and3A : i32 to vector<16xi32>
        %and3A_133 = arith.andi %xor3A_131, %and3A_132 : vector<16xi32>
        %mul3A_134 = arith.constant 16 : i32
        %mul3A_135 = arith.muli %add3A_53, %mul3A_134 : i32
        %swap3A = arith.index_cast %mul3A_135 : i32 to index
        %swap3A_136 = tpu.vector_load %arg14[%swap3A] {strides = array<i32>} : memref<2048xi32, #tpu.memory_space<vmem>>, vector<16xi32>,
        tpu.vector_store %arg14[%swap3A], %and3A_133 {strides = array<i32>} : memref<2048xi32, #tpu.memory_space<vmem>>, vector<16xi32>,
        %mul3A_137 = arith.constant 2048 : i32
        %mul3A_138 = vector.broadcast %mul3A_137 : i32 to vector<16xi32>
        %mul3A_139 = arith.muli %iota3A, %mul3A_138 : vector<16xi32>
        %add3A_140 = arith.addi %mul3A_139, %and3A_133 : vector<16xi32>
        %broadcast_in_dim3A_141 = arith.constant 1 : i32
        %broadcast_in_dim3A_142 = vector.broadcast %broadcast_in_dim3A_141 : i32 to vector<16xi32>
        tpu.vector_store_idx %arg15[%add3A_140], %broadcast_in_dim3A_142 {add = true} : memref<32768xi32, #tpu.memory_space<vmem>>[vector<16xi32>], vector<16xi32>,
      }
      %scan3A_48 = arith.constant 128 : i32
      "tpu.region"() ({
        %run_scoped3A = tpu.sem_alloc : memref<!tpu.dma_semaphore, #tpu.memory_space<semaphore_mem>>
        %dma_start3A = tpu.memref_slice %arg7[%add3A_43] : memref<1048576xi32, #tpu.memory_space<hbm>> -> memref<2048xi32, #tpu.memory_space<hbm>>
        %dma_start3A_49 = tpu.memref_slice %arg7[%add3A_43] : memref<1048576xi32, #tpu.memory_space<hbm>> -> memref<2048xi32, #tpu.memory_space<hbm>>
        tpu.enqueue_dma source(%arg14 : memref<2048xi32, #tpu.memory_space<vmem>>) target(%dma_start3A_49 : memref<2048xi32, #tpu.memory_space<hbm>>) target_semaphore(%run_scoped3A : memref<!tpu.dma_semaphore, #tpu.memory_space<semaphore_mem>>)
        %dma_wait3A = tpu.memref_slice %arg7[%add3A_43] : memref<1048576xi32, #tpu.memory_space<hbm>> -> memref<2048xi32, #tpu.memory_space<hbm>>
        %dma_wait3A_50 = tpu.memref_slice %arg7[%add3A_43] : memref<1048576xi32, #tpu.memory_space<hbm>> -> memref<2048xi32, #tpu.memory_space<hbm>>
        tpu.wait_dma2 semaphore(%run_scoped3A : memref<!tpu.dma_semaphore, #tpu.memory_space<semaphore_mem>>) src(%arg14 : memref<2048xi32, #tpu.memory_space<vmem>>) dst(%dma_wait3A_50 : memref<2048xi32, #tpu.memory_space<hbm>>)
        tpu.yield
      }) : () -> ()
    }
    %scan3A_30 = arith.constant 16 : i32
    %scan3A_31 = arith.constant 0 : i32
    %scan3A_32 = arith.constant 128 : i32
    %scan3A_33 = arith.addi %scan3A_31, %scan3A_32 : i32
    %scan3A_34 = arith.constant 1 : i32
    scf.for %scan3A_36 = %scan3A_31 to %scan3A_33 step %scan3A_34  : i32 {
      %mul3A_37 = arith.constant 1 : i32
      %mul3A_38 = arith.muli %scan3A_36, %mul3A_37 : i32
      %add3A_39 = arith.constant 0 : i32
      %add3A_40 = arith.addi %add3A_39, %mul3A_38 : i32
      %broadcast_in_dim3A = arith.constant 0 : i32
      %broadcast_in_dim3A_41 = vector.broadcast %broadcast_in_dim3A : i32 to vector<16xi32>
      %mul3A_42 = arith.constant 16 : i32
      %mul3A_43 = arith.muli %add3A_40, %mul3A_42 : i32
      %add3A_44 = arith.constant 0 : i32
      %add3A_45 = arith.addi %add3A_44, %mul3A_43 : i32
      %get3A_46 = arith.index_cast %add3A_45 : i32 to index
      %get3A_47 = tpu.vector_load %arg15[%get3A_46] {strides = array<i32>} : memref<32768xi32, #tpu.memory_space<vmem>>, vector<16xi32>,
      %add3A_48 = arith.addi %broadcast_in_dim3A_41, %get3A_47 : vector<16xi32>
      %mul3A_49 = arith.constant 16 : i32
      %mul3A_50 = arith.muli %add3A_40, %mul3A_49 : i32
      %add3A_51 = arith.constant 2048 : i32
      %add3A_52 = arith.addi %add3A_51, %mul3A_50 : i32
      %get3A_53 = arith.index_cast %add3A_52 : i32 to index
      %get3A_54 = tpu.vector_load %arg15[%get3A_53] {strides = array<i32>} : memref<32768xi32, #tpu.memory_space<vmem>>, vector<16xi32>,
      %add3A_55 = arith.addi %add3A_48, %get3A_54 : vector<16xi32>
      %mul3A_56 = arith.constant 16 : i32
      %mul3A_57 = arith.muli %add3A_40, %mul3A_56 : i32
      %add3A_58 = arith.constant 4096 : i32
      %add3A_59 = arith.addi %add3A_58, %mul3A_57 : i32
      %get3A_60 = arith.index_cast %add3A_59 : i32 to index
      %get3A_61 = tpu.vector_load %arg15[%get3A_60] {strides = array<i32>} : memref<32768xi32, #tpu.memory_space<vmem>>, vector<16xi32>,
      %add3A_62 = arith.addi %add3A_55, %get3A_61 : vector<16xi32>
      %mul3A_63 = arith.constant 16 : i32
      %mul3A_64 = arith.muli %add3A_40, %mul3A_63 : i32
      %add3A_65 = arith.constant 6144 : i32
      %add3A_66 = arith.addi %add3A_65, %mul3A_64 : i32
      %get3A_67 = arith.index_cast %add3A_66 : i32 to index
      %get3A_68 = tpu.vector_load %arg15[%get3A_67] {strides = array<i32>} : memref<32768xi32, #tpu.memory_space<vmem>>, vector<16xi32>,
      %add3A_69 = arith.addi %add3A_62, %get3A_68 : vector<16xi32>
      %mul3A_70 = arith.constant 16 : i32
      %mul3A_71 = arith.muli %add3A_40, %mul3A_70 : i32
      %add3A_72 = arith.constant 8192 : i32
      %add3A_73 = arith.addi %add3A_72, %mul3A_71 : i32
      %get3A_74 = arith.index_cast %add3A_73 : i32 to index
      %get3A_75 = tpu.vector_load %arg15[%get3A_74] {strides = array<i32>} : memref<32768xi32, #tpu.memory_space<vmem>>, vector<16xi32>,
      %add3A_76 = arith.addi %add3A_69, %get3A_75 : vector<16xi32>
      %mul3A_77 = arith.constant 16 : i32
      %mul3A_78 = arith.muli %add3A_40, %mul3A_77 : i32
      %add3A_79 = arith.constant 10240 : i32
      %add3A_80 = arith.addi %add3A_79, %mul3A_78 : i32
      %get3A_81 = arith.index_cast %add3A_80 : i32 to index
      %get3A_82 = tpu.vector_load %arg15[%get3A_81] {strides = array<i32>} : memref<32768xi32, #tpu.memory_space<vmem>>, vector<16xi32>,
      %add3A_83 = arith.addi %add3A_76, %get3A_82 : vector<16xi32>
      %mul3A_84 = arith.constant 16 : i32
      %mul3A_85 = arith.muli %add3A_40, %mul3A_84 : i32
      %add3A_86 = arith.constant 12288 : i32
      %add3A_87 = arith.addi %add3A_86, %mul3A_85 : i32
      %get3A_88 = arith.index_cast %add3A_87 : i32 to index
      %get3A_89 = tpu.vector_load %arg15[%get3A_88] {strides = array<i32>} : memref<32768xi32, #tpu.memory_space<vmem>>, vector<16xi32>,
      %add3A_90 = arith.addi %add3A_83, %get3A_89 : vector<16xi32>
      %mul3A_91 = arith.constant 16 : i32
      %mul3A_92 = arith.muli %add3A_40, %mul3A_91 : i32
      %add3A_93 = arith.constant 14336 : i32
      %add3A_94 = arith.addi %add3A_93, %mul3A_92 : i32
      %get3A_95 = arith.index_cast %add3A_94 : i32 to index
      %get3A_96 = tpu.vector_load %arg15[%get3A_95] {strides = array<i32>} : memref<32768xi32, #tpu.memory_space<vmem>>, vector<16xi32>,
      %add3A_97 = arith.addi %add3A_90, %get3A_96 : vector<16xi32>
      %mul3A_98 = arith.constant 16 : i32
      %mul3A_99 = arith.muli %add3A_40, %mul3A_98 : i32
      %add3A_100 = arith.constant 16384 : i32
      %add3A_101 = arith.addi %add3A_100, %mul3A_99 : i32
      %get3A_102 = arith.index_cast %add3A_101 : i32 to index
      %get3A_103 = tpu.vector_load %arg15[%get3A_102] {strides = array<i32>} : memref<32768xi32, #tpu.memory_space<vmem>>, vector<16xi32>,
      %add3A_104 = arith.addi %add3A_97, %get3A_103 : vector<16xi32>
      %mul3A_105 = arith.constant 16 : i32
      %mul3A_106 = arith.muli %add3A_40, %mul3A_105 : i32
      %add3A_107 = arith.constant 18432 : i32
      %add3A_108 = arith.addi %add3A_107, %mul3A_106 : i32
      %get3A_109 = arith.index_cast %add3A_108 : i32 to index
      %get3A_110 = tpu.vector_load %arg15[%get3A_109] {strides = array<i32>} : memref<32768xi32, #tpu.memory_space<vmem>>, vector<16xi32>,
      %add3A_111 = arith.addi %add3A_104, %get3A_110 : vector<16xi32>
      %mul3A_112 = arith.constant 16 : i32
      %mul3A_113 = arith.muli %add3A_40, %mul3A_112 : i32
      %add3A_114 = arith.constant 20480 : i32
      %add3A_115 = arith.addi %add3A_114, %mul3A_113 : i32
      %get3A_116 = arith.index_cast %add3A_115 : i32 to index
      %get3A_117 = tpu.vector_load %arg15[%get3A_116] {strides = array<i32>} : memref<32768xi32, #tpu.memory_space<vmem>>, vector<16xi32>,
      %add3A_118 = arith.addi %add3A_111, %get3A_117 : vector<16xi32>
      %mul3A_119 = arith.constant 16 : i32
      %mul3A_120 = arith.muli %add3A_40, %mul3A_119 : i32
      %add3A_121 = arith.constant 22528 : i32
      %add3A_122 = arith.addi %add3A_121, %mul3A_120 : i32
      %get3A_123 = arith.index_cast %add3A_122 : i32 to index
      %get3A_124 = tpu.vector_load %arg15[%get3A_123] {strides = array<i32>} : memref<32768xi32, #tpu.memory_space<vmem>>, vector<16xi32>,
      %add3A_125 = arith.addi %add3A_118, %get3A_124 : vector<16xi32>
      %mul3A_126 = arith.constant 16 : i32
      %mul3A_127 = arith.muli %add3A_40, %mul3A_126 : i32
      %add3A_128 = arith.constant 24576 : i32
      %add3A_129 = arith.addi %add3A_128, %mul3A_127 : i32
      %get3A_130 = arith.index_cast %add3A_129 : i32 to index
      %get3A_131 = tpu.vector_load %arg15[%get3A_130] {strides = array<i32>} : memref<32768xi32, #tpu.memory_space<vmem>>, vector<16xi32>,
      %add3A_132 = arith.addi %add3A_125, %get3A_131 : vector<16xi32>
      %mul3A_133 = arith.constant 16 : i32
      %mul3A_134 = arith.muli %add3A_40, %mul3A_133 : i32
      %add3A_135 = arith.constant 26624 : i32
      %add3A_136 = arith.addi %add3A_135, %mul3A_134 : i32
      %get3A_137 = arith.index_cast %add3A_136 : i32 to index
      %get3A_138 = tpu.vector_load %arg15[%get3A_137] {strides = array<i32>} : memref<32768xi32, #tpu.memory_space<vmem>>, vector<16xi32>,
      %add3A_139 = arith.addi %add3A_132, %get3A_138 : vector<16xi32>
      %mul3A_140 = arith.constant 16 : i32
      %mul3A_141 = arith.muli %add3A_40, %mul3A_140 : i32
      %add3A_142 = arith.constant 28672 : i32
      %add3A_143 = arith.addi %add3A_142, %mul3A_141 : i32
      %get3A_144 = arith.index_cast %add3A_143 : i32 to index
      %get3A_145 = tpu.vector_load %arg15[%get3A_144] {strides = array<i32>} : memref<32768xi32, #tpu.memory_space<vmem>>, vector<16xi32>,
      %add3A_146 = arith.addi %add3A_139, %get3A_145 : vector<16xi32>
      %mul3A_147 = arith.constant 16 : i32
      %mul3A_148 = arith.muli %add3A_40, %mul3A_147 : i32
      %add3A_149 = arith.constant 30720 : i32
      %add3A_150 = arith.addi %add3A_149, %mul3A_148 : i32
      %get3A_151 = arith.index_cast %add3A_150 : i32 to index
      %get3A_152 = tpu.vector_load %arg15[%get3A_151] {strides = array<i32>} : memref<32768xi32, #tpu.memory_space<vmem>>, vector<16xi32>,
      %add3A_153 = arith.addi %add3A_146, %get3A_152 : vector<16xi32>
      %mul3A_154 = arith.constant 16 : i32
      %mul3A_155 = arith.muli %add3A_40, %mul3A_154 : i32
      %swap3A = arith.index_cast %mul3A_155 : i32 to index
      %swap3A_156 = tpu.vector_load %arg16[%swap3A] {strides = array<i32>} : memref<2048xi32, #tpu.memory_space<vmem>>, vector<16xi32>,
      tpu.vector_store %arg16[%swap3A], %add3A_153 {strides = array<i32>} : memref<2048xi32, #tpu.memory_space<vmem>>, vector<16xi32>,
    }
    %scan3A_35 = arith.constant 128 : i32
    "tpu.region"() ({
      %run_scoped3A = tpu.sem_alloc : memref<!tpu.dma_semaphore, #tpu.memory_space<semaphore_mem>>
      %dma_start3A = arith.constant 0 : i32
      %dma_start3A_36 = tpu.memref_slice %arg8[%add3A, %dma_start3A] : memref<32x2048xi32, #tpu.memory_space<hbm>> -> memref<1x2048xi32, #tpu.memory_space<hbm>>
      %dma_start3A_37 = tpu.memref_squeeze %dma_start3A_36 : memref<1x2048xi32, #tpu.memory_space<hbm>> -> memref<2048xi32, #tpu.memory_space<hbm>>
      %dma_start3A_38 = arith.constant 0 : i32
      %dma_start3A_39 = tpu.memref_slice %arg8[%add3A, %dma_start3A_38] : memref<32x2048xi32, #tpu.memory_space<hbm>> -> memref<1x2048xi32, #tpu.memory_space<hbm>>
      %dma_start3A_40 = tpu.memref_squeeze %dma_start3A_39 : memref<1x2048xi32, #tpu.memory_space<hbm>> -> memref<2048xi32, #tpu.memory_space<hbm>>
      tpu.enqueue_dma source(%arg16 : memref<2048xi32, #tpu.memory_space<vmem>>) target(%dma_start3A_40 : memref<2048xi32, #tpu.memory_space<hbm>>) target_semaphore(%run_scoped3A : memref<!tpu.dma_semaphore, #tpu.memory_space<semaphore_mem>>)
      %dma_wait3A = arith.constant 0 : i32
      %dma_wait3A_41 = tpu.memref_slice %arg8[%add3A, %dma_wait3A] : memref<32x2048xi32, #tpu.memory_space<hbm>> -> memref<1x2048xi32, #tpu.memory_space<hbm>>
      %dma_wait3A_42 = tpu.memref_squeeze %dma_wait3A_41 : memref<1x2048xi32, #tpu.memory_space<hbm>> -> memref<2048xi32, #tpu.memory_space<hbm>>
      %dma_wait3A_43 = arith.constant 0 : i32
      %dma_wait3A_44 = tpu.memref_slice %arg8[%add3A, %dma_wait3A_43] : memref<32x2048xi32, #tpu.memory_space<hbm>> -> memref<1x2048xi32, #tpu.memory_space<hbm>>
      %dma_wait3A_45 = tpu.memref_squeeze %dma_wait3A_44 : memref<1x2048xi32, #tpu.memory_space<hbm>> -> memref<2048xi32, #tpu.memory_space<hbm>>
      tpu.wait_dma2 semaphore(%run_scoped3A : memref<!tpu.dma_semaphore, #tpu.memory_space<semaphore_mem>>) src(%arg16 : memref<2048xi32, #tpu.memory_space<vmem>>) dst(%dma_wait3A_45 : memref<2048xi32, #tpu.memory_space<hbm>>)
      tpu.yield
    }) : () -> ()
    return
  }
}

#map = affine_map<(d0, d1) -> (0)>
#map1 = affine_map<(d0, d1) -> (0, 0)>
module attributes {stable_mosaic.version = 14 : i64} {
  func.func @k_scatter(%arg0: i32, %arg1: i32, %arg2: memref<1048576xi32, #tpu.memory_space<hbm>>, %arg3: memref<1048576xf32, #tpu.memory_space<hbm>>, %arg4: memref<1048576xf32, #tpu.memory_space<hbm>>, %arg5: memref<1048576xf32, #tpu.memory_space<hbm>>, %arg6: memref<32x2048xi32, #tpu.memory_space<hbm>>, %arg7: memref<1048576xi32, #tpu.memory_space<hbm>>, %arg8: memref<1048640x16xf32, #tpu.memory_space<hbm>>, %arg9: memref<2048xi32, #tpu.memory_space<hbm>>, %arg10: memref<32x2048xi32, #tpu.memory_space<vmem>>, %arg11: memref<2048xi32, #tpu.memory_space<vmem>>, %arg12: memref<2064xi32, #tpu.memory_space<vmem>>, %arg13: memref<2048xi32, #tpu.memory_space<vmem>>, %arg14: memref<2048xf32, #tpu.memory_space<vmem>>, %arg15: memref<2048xf32, #tpu.memory_space<vmem>>, %arg16: memref<2048xf32, #tpu.memory_space<vmem>>, %arg17: memref<2048xi32, #tpu.memory_space<vmem>>, %arg18: memref<2048xi32, #tpu.memory_space<vmem>>, %arg19: memref<2048x16xf32, #tpu.memory_space<vmem>>, %arg20: memref<!tpu.dma_semaphore, #tpu.memory_space<semaphore_mem>>) attributes {dimension_semantics = [#tpu.dimension_semantics<core_parallel>, #tpu.dimension_semantics<subcore_parallel>], iteration_bounds = array<i64: 2, 16>, scalar_prefetch = 0 : i64, scratch_operands = 11 : i64, tpu.core_type = #tpu.core_type<sc_vector_subcore>, window_params = [{transform_indices = #map}, {transform_indices = #map}, {transform_indices = #map}, {transform_indices = #map}, {transform_indices = #map1}, {transform_indices = #map}, {transform_indices = #map1}, {transform_indices = #map}]} {
    %mul3A = arith.constant 2 : i32
    %mul3A_0 = arith.muli %arg1, %mul3A : i32
    %add3A = arith.addi %mul3A_0, %arg0 : i32
    %mul3A_1 = arith.constant 32768 : i32
    %mul3A_2 = arith.muli %add3A, %mul3A_1 : i32
    %iota3A = tpu.iota {dimensions = array<i32: 0>} : vector<16xi32>
    "tpu.region"() ({
      %run_scoped3A = tpu.sem_alloc : memref<!tpu.dma_semaphore, #tpu.memory_space<semaphore_mem>>
      tpu.enqueue_dma source(%arg6 : memref<32x2048xi32, #tpu.memory_space<hbm>>) target(%arg10 : memref<32x2048xi32, #tpu.memory_space<vmem>>) target_semaphore(%run_scoped3A : memref<!tpu.dma_semaphore, #tpu.memory_space<semaphore_mem>>)
      tpu.wait_dma2 semaphore(%run_scoped3A : memref<!tpu.dma_semaphore, #tpu.memory_space<semaphore_mem>>) src(%arg6 : memref<32x2048xi32, #tpu.memory_space<hbm>>) dst(%arg10 : memref<32x2048xi32, #tpu.memory_space<vmem>>)
      tpu.yield
    }) : () -> ()
    %scan3A = arith.constant 0 : i32
    %scan3A_3 = arith.constant 128 : i32
    %scan3A_4 = arith.addi %scan3A, %scan3A_3 : i32
    %scan3A_5 = arith.constant 1 : i32
    scf.for %scan3A_16 = %scan3A to %scan3A_4 step %scan3A_5  : i32 {
      %mul3A_17 = arith.constant 1 : i32
      %mul3A_18 = arith.muli %scan3A_16, %mul3A_17 : i32
      %add3A_19 = arith.constant 0 : i32
      %add3A_20 = arith.addi %add3A_19, %mul3A_18 : i32
      %broadcast_in_dim3A = arith.constant 0 : i32
      %broadcast_in_dim3A_21 = vector.broadcast %broadcast_in_dim3A : i32 to vector<16xi32>
      %while3A = arith.constant 0 : i32
      %while3A_22 = arith.subi %add3A, %while3A : i32
      %while3A_23 = arith.addi %while3A, %while3A_22 : i32
      %while3A_24 = arith.constant 1 : i32
      %while3A_25 = arith.divsi %while3A_22, %while3A_24 : i32
      %while3A_26 = arith.muli %while3A_25, %while3A_24 : i32
      %while3A_27 = arith.addi %while3A, %while3A_26 : i32
      %while3A_28 = arith.constant 1 : i32
      %while3A_29 = scf.for %while3A_50 = %while3A to %while3A_27 step %while3A_28 iter_args(%while3A_51 = %broadcast_in_dim3A_21) -> (vector<16xi32>)  : i32 {
        %mul3A_52 = arith.constant 16 : i32
        %mul3A_53 = arith.muli %add3A_20, %mul3A_52 : i32
        %get3A = arith.index_cast %while3A_50 : i32 to index
        %get3A_54 = arith.index_cast %mul3A_53 : i32 to index
        %get3A_55 = tpu.vector_load %arg10[%get3A, %get3A_54] {strides = array<i32>} : memref<32x2048xi32, #tpu.memory_space<vmem>>, vector<16xi32>,
        %add3A_56 = arith.addi %while3A_51, %get3A_55 : vector<16xi32>
        scf.yield %add3A_56 : vector<16xi32>
      }
      %while3A_30 = arith.constant 1 : i32
      %while3A_31 = scf.for %while3A_50 = %while3A_27 to %while3A_23 step %while3A_30 iter_args(%while3A_51 = %while3A_29) -> (vector<16xi32>)  : i32 {
        %mul3A_52 = arith.constant 16 : i32
        %mul3A_53 = arith.muli %add3A_20, %mul3A_52 : i32
        %get3A = arith.index_cast %while3A_50 : i32 to index
        %get3A_54 = arith.index_cast %mul3A_53 : i32 to index
        %get3A_55 = tpu.vector_load %arg10[%get3A, %get3A_54] {strides = array<i32>} : memref<32x2048xi32, #tpu.memory_space<vmem>>, vector<16xi32>,
        %add3A_56 = arith.addi %while3A_51, %get3A_55 : vector<16xi32>
        scf.yield %add3A_56 : vector<16xi32>
      }
      %mul3A_32 = arith.constant 16 : i32
      %mul3A_33 = arith.muli %add3A_20, %mul3A_32 : i32
      %swap3A = arith.index_cast %mul3A_33 : i32 to index
      %swap3A_34 = tpu.vector_load %arg11[%swap3A] {strides = array<i32>} : memref<2048xi32, #tpu.memory_space<vmem>>, vector<16xi32>,
      tpu.vector_store %arg11[%swap3A], %while3A_31 {strides = array<i32>} : memref<2048xi32, #tpu.memory_space<vmem>>, vector<16xi32>,
      %while3A_35 = arith.constant 32 : i32
      %while3A_36 = arith.subi %while3A_35, %add3A : i32
      %while3A_37 = arith.addi %add3A, %while3A_36 : i32
      %while3A_38 = arith.constant 1 : i32
      %while3A_39 = arith.divsi %while3A_36, %while3A_38 : i32
      %while3A_40 = arith.muli %while3A_39, %while3A_38 : i32
      %while3A_41 = arith.addi %add3A, %while3A_40 : i32
      %while3A_42 = arith.constant 1 : i32
      %while3A_43 = scf.for %while3A_50 = %add3A to %while3A_41 step %while3A_42 iter_args(%while3A_51 = %while3A_31) -> (vector<16xi32>)  : i32 {
        %mul3A_52 = arith.constant 16 : i32
        %mul3A_53 = arith.muli %add3A_20, %mul3A_52 : i32
        %get3A = arith.index_cast %while3A_50 : i32 to index
        %get3A_54 = arith.index_cast %mul3A_53 : i32 to index
        %get3A_55 = tpu.vector_load %arg10[%get3A, %get3A_54] {strides = array<i32>} : memref<32x2048xi32, #tpu.memory_space<vmem>>, vector<16xi32>,
        %add3A_56 = arith.addi %while3A_51, %get3A_55 : vector<16xi32>
        scf.yield %add3A_56 : vector<16xi32>
      }
      %while3A_44 = arith.constant 1 : i32
      %while3A_45 = scf.for %while3A_50 = %while3A_41 to %while3A_37 step %while3A_44 iter_args(%while3A_51 = %while3A_43) -> (vector<16xi32>)  : i32 {
        %mul3A_52 = arith.constant 16 : i32
        %mul3A_53 = arith.muli %add3A_20, %mul3A_52 : i32
        %get3A = arith.index_cast %while3A_50 : i32 to index
        %get3A_54 = arith.index_cast %mul3A_53 : i32 to index
        %get3A_55 = tpu.vector_load %arg10[%get3A, %get3A_54] {strides = array<i32>} : memref<32x2048xi32, #tpu.memory_space<vmem>>, vector<16xi32>,
        %add3A_56 = arith.addi %while3A_51, %get3A_55 : vector<16xi32>
        scf.yield %add3A_56 : vector<16xi32>
      }
      %mul3A_46 = arith.constant 16 : i32
      %mul3A_47 = arith.muli %add3A_20, %mul3A_46 : i32
      %swap3A_48 = arith.index_cast %mul3A_47 : i32 to index
      %swap3A_49 = tpu.vector_load %arg12[%swap3A_48] {strides = array<i32>} : memref<2064xi32, #tpu.memory_space<vmem>>, vector<16xi32>,
      tpu.vector_store %arg12[%swap3A_48], %while3A_45 {strides = array<i32>} : memref<2064xi32, #tpu.memory_space<vmem>>, vector<16xi32>,
    }
    %scan3A_6 = arith.constant 128 : i32
    %mul3A_7 = arith.constant 64 : i32
    %mul3A_8 = arith.muli %add3A, %mul3A_7 : i32
    %mul3A_9 = arith.constant 64 : i32
    %mul3A_10 = arith.muli %add3A, %mul3A_9 : i32
    "tpu.region"() ({
      %run_scoped3A = tpu.sem_alloc : memref<!tpu.dma_semaphore, #tpu.memory_space<semaphore_mem>>
      %dma_start3A = tpu.memref_slice %arg12[%mul3A_8] : memref<2064xi32, #tpu.memory_space<vmem>> -> memref<64xi32, #tpu.memory_space<vmem>>
      %dma_start3A_16 = tpu.memref_slice %arg9[%mul3A_10] : memref<2048xi32, #tpu.memory_space<hbm>> -> memref<64xi32, #tpu.memory_space<hbm>>
      %dma_start3A_17 = tpu.memref_slice %arg9[%mul3A_10] : memref<2048xi32, #tpu.memory_space<hbm>> -> memref<64xi32, #tpu.memory_space<hbm>>
      %dma_start3A_18 = tpu.memref_slice %arg12[%mul3A_8] : memref<2064xi32, #tpu.memory_space<vmem>> -> memref<64xi32, #tpu.memory_space<vmem>>
      tpu.enqueue_dma source(%dma_start3A_18 : memref<64xi32, #tpu.memory_space<vmem>>) target(%dma_start3A_17 : memref<64xi32, #tpu.memory_space<hbm>>) target_semaphore(%run_scoped3A : memref<!tpu.dma_semaphore, #tpu.memory_space<semaphore_mem>>)
      %dma_wait3A = tpu.memref_slice %arg12[%mul3A_8] : memref<2064xi32, #tpu.memory_space<vmem>> -> memref<64xi32, #tpu.memory_space<vmem>>
      %dma_wait3A_19 = tpu.memref_slice %arg9[%mul3A_10] : memref<2048xi32, #tpu.memory_space<hbm>> -> memref<64xi32, #tpu.memory_space<hbm>>
      %dma_wait3A_20 = tpu.memref_slice %arg9[%mul3A_10] : memref<2048xi32, #tpu.memory_space<hbm>> -> memref<64xi32, #tpu.memory_space<hbm>>
      %dma_wait3A_21 = tpu.memref_slice %arg12[%mul3A_8] : memref<2064xi32, #tpu.memory_space<vmem>> -> memref<64xi32, #tpu.memory_space<vmem>>
      tpu.wait_dma2 semaphore(%run_scoped3A : memref<!tpu.dma_semaphore, #tpu.memory_space<semaphore_mem>>) src(%dma_wait3A_21 : memref<64xi32, #tpu.memory_space<vmem>>) dst(%dma_wait3A_20 : memref<64xi32, #tpu.memory_space<hbm>>)
      tpu.yield
    }) : () -> ()
    %scan3A_11 = arith.constant 0 : i32
    %scan3A_12 = arith.constant 16 : i32
    %scan3A_13 = arith.addi %scan3A_11, %scan3A_12 : i32
    %scan3A_14 = arith.constant 1 : i32
    scf.for %scan3A_16 = %scan3A_11 to %scan3A_13 step %scan3A_14  : i32 {
      %mul3A_17 = arith.constant 1 : i32
      %mul3A_18 = arith.muli %scan3A_16, %mul3A_17 : i32
      %add3A_19 = arith.constant 0 : i32
      %add3A_20 = arith.addi %add3A_19, %mul3A_18 : i32
      %mul3A_21 = arith.constant 2048 : i32
      %mul3A_22 = arith.muli %add3A_20, %mul3A_21 : i32
      %add3A_23 = arith.addi %mul3A_2, %mul3A_22 : i32
      "tpu.region"() ({
        %run_scoped3A = tpu.sem_alloc : memref<!tpu.dma_semaphore, #tpu.memory_space<semaphore_mem>>
        %dma_start3A_33 = tpu.memref_slice %arg2[%add3A_23] : memref<1048576xi32, #tpu.memory_space<hbm>> -> memref<2048xi32, #tpu.memory_space<hbm>>
        %dma_start3A_34 = tpu.memref_slice %arg2[%add3A_23] : memref<1048576xi32, #tpu.memory_space<hbm>> -> memref<2048xi32, #tpu.memory_space<hbm>>
        tpu.enqueue_dma source(%dma_start3A_34 : memref<2048xi32, #tpu.memory_space<hbm>>) target(%arg13 : memref<2048xi32, #tpu.memory_space<vmem>>) target_semaphore(%run_scoped3A : memref<!tpu.dma_semaphore, #tpu.memory_space<semaphore_mem>>)
        %dma_wait3A_35 = tpu.memref_slice %arg2[%add3A_23] : memref<1048576xi32, #tpu.memory_space<hbm>> -> memref<2048xi32, #tpu.memory_space<hbm>>
        %dma_wait3A_36 = tpu.memref_slice %arg2[%add3A_23] : memref<1048576xi32, #tpu.memory_space<hbm>> -> memref<2048xi32, #tpu.memory_space<hbm>>
        tpu.wait_dma2 semaphore(%run_scoped3A : memref<!tpu.dma_semaphore, #tpu.memory_space<semaphore_mem>>) src(%dma_wait3A_36 : memref<2048xi32, #tpu.memory_space<hbm>>) dst(%arg13 : memref<2048xi32, #tpu.memory_space<vmem>>)
        tpu.yield
      }) : () -> ()
      "tpu.region"() ({
        %run_scoped3A = tpu.sem_alloc : memref<!tpu.dma_semaphore, #tpu.memory_space<semaphore_mem>>
        %dma_start3A_33 = tpu.memref_slice %arg3[%add3A_23] : memref<1048576xf32, #tpu.memory_space<hbm>> -> memref<2048xf32, #tpu.memory_space<hbm>>
        %dma_start3A_34 = tpu.memref_slice %arg3[%add3A_23] : memref<1048576xf32, #tpu.memory_space<hbm>> -> memref<2048xf32, #tpu.memory_space<hbm>>
        tpu.enqueue_dma source(%dma_start3A_34 : memref<2048xf32, #tpu.memory_space<hbm>>) target(%arg14 : memref<2048xf32, #tpu.memory_space<vmem>>) target_semaphore(%run_scoped3A : memref<!tpu.dma_semaphore, #tpu.memory_space<semaphore_mem>>)
        %dma_wait3A_35 = tpu.memref_slice %arg3[%add3A_23] : memref<1048576xf32, #tpu.memory_space<hbm>> -> memref<2048xf32, #tpu.memory_space<hbm>>
        %dma_wait3A_36 = tpu.memref_slice %arg3[%add3A_23] : memref<1048576xf32, #tpu.memory_space<hbm>> -> memref<2048xf32, #tpu.memory_space<hbm>>
        tpu.wait_dma2 semaphore(%run_scoped3A : memref<!tpu.dma_semaphore, #tpu.memory_space<semaphore_mem>>) src(%dma_wait3A_36 : memref<2048xf32, #tpu.memory_space<hbm>>) dst(%arg14 : memref<2048xf32, #tpu.memory_space<vmem>>)
        tpu.yield
      }) : () -> ()
      "tpu.region"() ({
        %run_scoped3A = tpu.sem_alloc : memref<!tpu.dma_semaphore, #tpu.memory_space<semaphore_mem>>
        %dma_start3A_33 = tpu.memref_slice %arg4[%add3A_23] : memref<1048576xf32, #tpu.memory_space<hbm>> -> memref<2048xf32, #tpu.memory_space<hbm>>
        %dma_start3A_34 = tpu.memref_slice %arg4[%add3A_23] : memref<1048576xf32, #tpu.memory_space<hbm>> -> memref<2048xf32, #tpu.memory_space<hbm>>
        tpu.enqueue_dma source(%dma_start3A_34 : memref<2048xf32, #tpu.memory_space<hbm>>) target(%arg15 : memref<2048xf32, #tpu.memory_space<vmem>>) target_semaphore(%run_scoped3A : memref<!tpu.dma_semaphore, #tpu.memory_space<semaphore_mem>>)
        %dma_wait3A_35 = tpu.memref_slice %arg4[%add3A_23] : memref<1048576xf32, #tpu.memory_space<hbm>> -> memref<2048xf32, #tpu.memory_space<hbm>>
        %dma_wait3A_36 = tpu.memref_slice %arg4[%add3A_23] : memref<1048576xf32, #tpu.memory_space<hbm>> -> memref<2048xf32, #tpu.memory_space<hbm>>
        tpu.wait_dma2 semaphore(%run_scoped3A : memref<!tpu.dma_semaphore, #tpu.memory_space<semaphore_mem>>) src(%dma_wait3A_36 : memref<2048xf32, #tpu.memory_space<hbm>>) dst(%arg15 : memref<2048xf32, #tpu.memory_space<vmem>>)
        tpu.yield
      }) : () -> ()
      "tpu.region"() ({
        %run_scoped3A = tpu.sem_alloc : memref<!tpu.dma_semaphore, #tpu.memory_space<semaphore_mem>>
        %dma_start3A_33 = tpu.memref_slice %arg5[%add3A_23] : memref<1048576xf32, #tpu.memory_space<hbm>> -> memref<2048xf32, #tpu.memory_space<hbm>>
        %dma_start3A_34 = tpu.memref_slice %arg5[%add3A_23] : memref<1048576xf32, #tpu.memory_space<hbm>> -> memref<2048xf32, #tpu.memory_space<hbm>>
        tpu.enqueue_dma source(%dma_start3A_34 : memref<2048xf32, #tpu.memory_space<hbm>>) target(%arg16 : memref<2048xf32, #tpu.memory_space<vmem>>) target_semaphore(%run_scoped3A : memref<!tpu.dma_semaphore, #tpu.memory_space<semaphore_mem>>)
        %dma_wait3A_35 = tpu.memref_slice %arg5[%add3A_23] : memref<1048576xf32, #tpu.memory_space<hbm>> -> memref<2048xf32, #tpu.memory_space<hbm>>
        %dma_wait3A_36 = tpu.memref_slice %arg5[%add3A_23] : memref<1048576xf32, #tpu.memory_space<hbm>> -> memref<2048xf32, #tpu.memory_space<hbm>>
        tpu.wait_dma2 semaphore(%run_scoped3A : memref<!tpu.dma_semaphore, #tpu.memory_space<semaphore_mem>>) src(%dma_wait3A_36 : memref<2048xf32, #tpu.memory_space<hbm>>) dst(%arg16 : memref<2048xf32, #tpu.memory_space<vmem>>)
        tpu.yield
      }) : () -> ()
      %scan3A_24 = arith.constant 0 : i32
      %scan3A_25 = arith.constant 128 : i32
      %scan3A_26 = arith.addi %scan3A_24, %scan3A_25 : i32
      %scan3A_27 = arith.constant 1 : i32
      scf.for %scan3A_33 = %scan3A_24 to %scan3A_26 step %scan3A_27  : i32 {
        %mul3A_34 = arith.constant 1 : i32
        %mul3A_35 = arith.muli %scan3A_33, %mul3A_34 : i32
        %add3A_36 = arith.constant 0 : i32
        %add3A_37 = arith.addi %add3A_36, %mul3A_35 : i32
        %mul3A_38 = arith.constant 16 : i32
        %mul3A_39 = arith.muli %add3A_37, %mul3A_38 : i32
        %get3A = arith.index_cast %mul3A_39 : i32 to index
        %get3A_40 = tpu.vector_load %arg13[%get3A] {strides = array<i32>} : memref<2048xi32, #tpu.memory_space<vmem>>, vector<16xi32>,
        %broadcast_in_dim3A = arith.constant true
        %broadcast_in_dim3A_41 = vector.broadcast %broadcast_in_dim3A : i1 to vector<16xi1>
        %unique3A, %unique3A_42 = tpu.scan_count mask(%broadcast_in_dim3A_41 : vector<16xi1>) value(%get3A_40 : vector<16xi32>) : vector<16xi1>, vector<16xi32>
        %gather3A = tpu.vector_load_idx %arg11[%get3A_40] : memref<2048xi32, #tpu.memory_space<vmem>>[vector<16xi32>], vector<16xi32>,
        %add3A_43 = arith.addi %gather3A, %unique3A_42 : vector<16xi32>
        tpu.vector_store_idx %arg11[%get3A_40], %add3A_43 masked %unique3A : memref<2048xi32, #tpu.memory_space<vmem>>[vector<16xi32>], vector<16xi32>, vector<16xi1>
        %add3A_44 = arith.addi %gather3A, %unique3A_42 : vector<16xi32>
        %sub3A = arith.constant 1 : i32
        %sub3A_45 = vector.broadcast %sub3A : i32 to vector<16xi32>
        %sub3A_46 = arith.subi %add3A_44, %sub3A_45 : vector<16xi32>
        %lt3A = arith.constant 512 : i32
        %lt3A_47 = vector.broadcast %lt3A : i32 to vector<16xi32>
        %lt3A_48 = arith.cmpi slt, %sub3A_46, %lt3A_47 : vector<16xi32>
        %mul3A_49 = arith.constant 512 : i32
        %mul3A_50 = vector.broadcast %mul3A_49 : i32 to vector<16xi32>
        %mul3A_51 = arith.muli %get3A_40, %mul3A_50 : vector<16xi32>
        %add3A_52 = arith.addi %mul3A_51, %sub3A_46 : vector<16xi32>
        %jit3A = arith.constant -1 : i32
        %broadcast_in_dim3A_53 = vector.broadcast %jit3A : i32 to vector<16xi32>
        %select_n3A = arith.select %lt3A_48, %add3A_52, %broadcast_in_dim3A_53 : vector<16xi1>, vector<16xi32>
        %mul3A_54 = arith.constant 16 : i32
        %mul3A_55 = arith.muli %add3A_37, %mul3A_54 : i32
        %swap3A = arith.index_cast %mul3A_55 : i32 to index
        %swap3A_56 = tpu.vector_load %arg17[%swap3A] {strides = array<i32>} : memref<2048xi32, #tpu.memory_space<vmem>>, vector<16xi32>,
        tpu.vector_store %arg17[%swap3A], %select_n3A {strides = array<i32>} : memref<2048xi32, #tpu.memory_space<vmem>>, vector<16xi32>,
        %mul3A_57 = arith.constant 16 : i32
        %mul3A_58 = arith.muli %add3A_37, %mul3A_57 : i32
        %add3A_59 = vector.broadcast %mul3A_58 : i32 to vector<16xi32>
        %add3A_60 = arith.addi %add3A_59, %iota3A : vector<16xi32>
        %and3A = arith.constant 63 : i32
        %and3A_61 = vector.broadcast %and3A : i32 to vector<16xi32>
        %and3A_62 = arith.andi %add3A_60, %and3A_61 : vector<16xi32>
        %add3A_63 = arith.constant 1048576 : i32
        %add3A_64 = vector.broadcast %add3A_63 : i32 to vector<16xi32>
        %add3A_65 = arith.addi %add3A_64, %and3A_62 : vector<16xi32>
        %select_n3A_66 = arith.select %lt3A_48, %add3A_52, %add3A_65 : vector<16xi1>, vector<16xi32>
        %mul3A_67 = arith.constant 16 : i32
        %mul3A_68 = arith.muli %add3A_37, %mul3A_67 : i32
        %swap3A_69 = arith.index_cast %mul3A_68 : i32 to index
        %swap3A_70 = tpu.vector_load %arg18[%swap3A_69] {strides = array<i32>} : memref<2048xi32, #tpu.memory_space<vmem>>, vector<16xi32>,
        tpu.vector_store %arg18[%swap3A_69], %select_n3A_66 {strides = array<i32>} : memref<2048xi32, #tpu.memory_space<vmem>>, vector<16xi32>,
        %mul3A_71 = arith.constant 16 : i32
        %mul3A_72 = arith.muli %add3A_37, %mul3A_71 : i32
        %add3A_73 = vector.broadcast %mul3A_72 : i32 to vector<16xi32>
        %add3A_74 = arith.addi %add3A_73, %iota3A : vector<16xi32>
        %mul3A_75 = arith.constant 0 : i32
        %mul3A_76 = vector.broadcast %mul3A_75 : i32 to vector<16xi32>
        %mul3A_77 = arith.muli %iota3A, %mul3A_76 : vector<16xi32>
        %mul3A_78 = arith.constant 16 : i32
        %mul3A_79 = arith.muli %add3A_37, %mul3A_78 : i32
        %get3A_80 = arith.index_cast %mul3A_79 : i32 to index
        %get3A_81 = tpu.vector_load %arg14[%get3A_80] {strides = array<i32>} : memref<2048xf32, #tpu.memory_space<vmem>>, vector<16xf32>,
        tpu.vector_store_idx %arg19[%add3A_74, %mul3A_77], %get3A_81 : memref<2048x16xf32, #tpu.memory_space<vmem>>[vector<16xi32>, vector<16xi32>], vector<16xf32>,
        %mul3A_82 = arith.constant 0 : i32
        %mul3A_83 = vector.broadcast %mul3A_82 : i32 to vector<16xi32>
        %mul3A_84 = arith.muli %iota3A, %mul3A_83 : vector<16xi32>
        %add3A_85 = arith.constant 1 : i32
        %add3A_86 = vector.broadcast %add3A_85 : i32 to vector<16xi32>
        %add3A_87 = arith.addi %mul3A_84, %add3A_86 : vector<16xi32>
        %mul3A_88 = arith.constant 16 : i32
        %mul3A_89 = arith.muli %add3A_37, %mul3A_88 : i32
        %get3A_90 = arith.index_cast %mul3A_89 : i32 to index
        %get3A_91 = tpu.vector_load %arg15[%get3A_90] {strides = array<i32>} : memref<2048xf32, #tpu.memory_space<vmem>>, vector<16xf32>,
        tpu.vector_store_idx %arg19[%add3A_74, %add3A_87], %get3A_91 : memref<2048x16xf32, #tpu.memory_space<vmem>>[vector<16xi32>, vector<16xi32>], vector<16xf32>,
        %mul3A_92 = arith.constant 0 : i32
        %mul3A_93 = vector.broadcast %mul3A_92 : i32 to vector<16xi32>
        %mul3A_94 = arith.muli %iota3A, %mul3A_93 : vector<16xi32>
        %add3A_95 = arith.constant 2 : i32
        %add3A_96 = vector.broadcast %add3A_95 : i32 to vector<16xi32>
        %add3A_97 = arith.addi %mul3A_94, %add3A_96 : vector<16xi32>
        %mul3A_98 = arith.constant 16 : i32
        %mul3A_99 = arith.muli %add3A_37, %mul3A_98 : i32
        %get3A_100 = arith.index_cast %mul3A_99 : i32 to index
        %get3A_101 = tpu.vector_load %arg16[%get3A_100] {strides = array<i32>} : memref<2048xf32, #tpu.memory_space<vmem>>, vector<16xf32>,
        tpu.vector_store_idx %arg19[%add3A_74, %add3A_97], %get3A_101 : memref<2048x16xf32, #tpu.memory_space<vmem>>[vector<16xi32>, vector<16xi32>], vector<16xf32>,
      }
      %scan3A_28 = arith.constant 128 : i32
      %dma_start3A = arith.constant 0 : i32
      %dma_start3A_29 = arith.constant 0 : i32
      %dma_start3A_30 = tpu.memref_slice %arg8[%dma_start3A, %dma_start3A_29] : memref<1048640x16xf32, #tpu.memory_space<hbm>> -> memref<1048640x16xf32, #tpu.memory_space<hbm>>
      tpu.enqueue_indirect_dma source(%arg19 : memref<2048x16xf32, #tpu.memory_space<vmem>>) target(%dma_start3A_30 : memref<1048640x16xf32, #tpu.memory_space<hbm>>) offsets(%arg18 : memref<2048xi32, #tpu.memory_space<vmem>>) semaphore(%arg20 : memref<!tpu.dma_semaphore, #tpu.memory_space<semaphore_mem>>)
      %dma_wait3A = arith.constant 0 : i32
      %dma_wait3A_31 = arith.constant 0 : i32
      %dma_wait3A_32 = tpu.memref_slice %arg8[%dma_wait3A, %dma_wait3A_31] : memref<1048640x16xf32, #tpu.memory_space<hbm>> -> memref<1048640x16xf32, #tpu.memory_space<hbm>>
      tpu.wait_indirect_dma semaphore(%arg20 : memref<!tpu.dma_semaphore, #tpu.memory_space<semaphore_mem>>) src(%arg19 : memref<2048x16xf32, #tpu.memory_space<vmem>>) dst(%dma_wait3A_32 : memref<1048640x16xf32, #tpu.memory_space<hbm>>)
      "tpu.region"() ({
        %run_scoped3A = tpu.sem_alloc : memref<!tpu.dma_semaphore, #tpu.memory_space<semaphore_mem>>
        %dma_start3A_33 = tpu.memref_slice %arg7[%add3A_23] : memref<1048576xi32, #tpu.memory_space<hbm>> -> memref<2048xi32, #tpu.memory_space<hbm>>
        %dma_start3A_34 = tpu.memref_slice %arg7[%add3A_23] : memref<1048576xi32, #tpu.memory_space<hbm>> -> memref<2048xi32, #tpu.memory_space<hbm>>
        tpu.enqueue_dma source(%arg17 : memref<2048xi32, #tpu.memory_space<vmem>>) target(%dma_start3A_34 : memref<2048xi32, #tpu.memory_space<hbm>>) target_semaphore(%run_scoped3A : memref<!tpu.dma_semaphore, #tpu.memory_space<semaphore_mem>>)
        %dma_wait3A_35 = tpu.memref_slice %arg7[%add3A_23] : memref<1048576xi32, #tpu.memory_space<hbm>> -> memref<2048xi32, #tpu.memory_space<hbm>>
        %dma_wait3A_36 = tpu.memref_slice %arg7[%add3A_23] : memref<1048576xi32, #tpu.memory_space<hbm>> -> memref<2048xi32, #tpu.memory_space<hbm>>
        tpu.wait_dma2 semaphore(%run_scoped3A : memref<!tpu.dma_semaphore, #tpu.memory_space<semaphore_mem>>) src(%arg17 : memref<2048xi32, #tpu.memory_space<vmem>>) dst(%dma_wait3A_36 : memref<2048xi32, #tpu.memory_space<hbm>>)
        tpu.yield
      }) : () -> ()
    }
    %scan3A_15 = arith.constant 16 : i32
    return
  }
}

module attributes {stable_mosaic.version = 14 : i64} {
  func.func @_clean_body(%arg0: i32, %arg1: memref<64x128xf32, #tpu.memory_space<vmem>>, %arg2: memref<1x1x1xi32, #tpu.memory_space<vmem>>, %arg3: memref<64x128xf32, #tpu.memory_space<vmem>>) attributes {dimension_semantics = [#tpu.dimension_semantics<arbitrary>], iteration_bounds = array<i64: 2048>, scalar_prefetch = 0 : i64, scratch_operands = 0 : i64, tpu.core_type = #tpu.core_type<tc>, window_params = [{transform_indices = @transform_0, window_bounds = array<i64: 64, 128>}, {transform_indices = @transform_1, window_bounds = array<i64: 1, 1, 1>}, {transform_indices = @transform_2, window_bounds = array<i64: 64, 128>}]} {
    %iota3A = tpu.iota {dimensions = array<i32: 0>} : vector<64x128xi32>
    %iota3A_0 = tpu.iota {dimensions = array<i32: 1>} : vector<64x128xi32>
    %mul3A = arith.constant 8 : i32
    %mul3A_1 = vector.broadcast %mul3A : i32 to vector<64x128xi32>
    %mul3A_2 = arith.muli %iota3A, %mul3A_1 : vector<64x128xi32>
    %shift_right_arithmetic3A = arith.constant 4 : i32
    %shift_right_arithmetic3A_3 = vector.broadcast %shift_right_arithmetic3A : i32 to vector<64x128xi32>
    %shift_right_arithmetic3A_4 = arith.shrsi %iota3A_0, %shift_right_arithmetic3A_3 : vector<64x128xi32>
    %add3A = arith.addi %mul3A_2, %shift_right_arithmetic3A_4 : vector<64x128xi32>
    %get3A = arith.constant 0 : index
    %get3A_5 = arith.constant 0 : index
    %get3A_6 = arith.constant 0 : index
    %get3A_7 = vector.load %arg2[%get3A, %get3A_5, %get3A_6] : memref<1x1x1xi32, #tpu.memory_space<vmem>>, vector<1x1x1xi32>
    %reshape3A = vector.shape_cast %get3A_7 : vector<1x1x1xi32> to vector<1x1xi32>
    %lt3A = vector.broadcast %reshape3A : vector<1x1xi32> to vector<64x128xi32>
    %lt3A_8 = arith.cmpi slt, %add3A, %lt3A : vector<64x128xi32>
    %get3A_9 = arith.constant 0 : index
    %get3A_10 = arith.constant 0 : index
    %get3A_11 = vector.load %arg1[%get3A_9, %get3A_10] : memref<64x128xf32, #tpu.memory_space<vmem>>, vector<64x128xf32>
    %broadcast_in_dim3A = arith.constant 0.000000e+00 : f32
    %broadcast_in_dim3A_12 = vector.broadcast %broadcast_in_dim3A : f32 to vector<64x128xf32>
    %select_n3A = arith.select %lt3A_8, %get3A_11, %broadcast_in_dim3A_12 : vector<64x128xi1>, vector<64x128xf32>
    %swap3A = arith.constant 0 : index
    %swap3A_13 = arith.constant 0 : index
    %swap3A_14 = vector.load %arg3[%swap3A, %swap3A_13] : memref<64x128xf32, #tpu.memory_space<vmem>>, vector<64x128xf32>
    tpu.vector_store %arg3[%swap3A, %swap3A_13], %select_n3A {strides = array<i32>} : memref<64x128xf32, #tpu.memory_space<vmem>>, vector<64x128xf32>,
    return
  }
  func.func @transform_0(%arg0: i32) -> (i32, i32) {
    %c0_i32 = arith.constant 0 : i32
    %c0_i32_0 = arith.constant 0 : i32
    return %arg0, %c0_i32 : i32, i32
  }
  func.func @transform_1(%arg0: i32) -> (i32, i32, i32) {
    %c0_i32 = arith.constant 0 : i32
    %c0_i32_0 = arith.constant 0 : i32
    %c0_i32_1 = arith.constant 0 : i32
    return %arg0, %c0_i32, %c0_i32_0 : i32, i32, i32
  }
  func.func @transform_2(%arg0: i32) -> (i32, i32) {
    %c0_i32 = arith.constant 0 : i32
    %c0_i32_0 = arith.constant 0 : i32
    return %arg0, %c0_i32 : i32, i32
  }
}

</mosaic_0001>

<sc_bundles>
// kernel: kernel.5.cloned.1.call-start
scs
__scs_entry_jumppad:
0x0: {  	(pc) =	sbr.rel $0x88, $3  }
0x1: {  	(tag) =	ssettag $0x0;
	lr =	simm.s32 $0x1  }
0x2: {  	[smem:$0x3F9E] =	sst lr;
	_ =	strace $0xD0000000  }
0x3: {  	_ = 	snop  }
0x4: {  	_ = 	snop  }
0x5: {  	_ = 	snop  }
0x6: {  	_ = 	snop  }
0x7: {  	_ = 	snop  }
__scs_overlays_trampoline_lowered:
0x8: {  	[smem:$0x3FAD] =	sst s0  }
0x9: {  	[smem:$0x3FAE] =	sst s1  }
0xa: {  	[smem:$0x3FAF] =	sst s2  }
0xb: {  	[smem:$0x3FB0] =	sst s3  }
0xc: {  	[smem:$0x3FB1] =	sst s4  }
0xd: {  	[smem:$0x3FB2] =	sst s5  }
0xe: {  	[smem:$0x3FB3] =	sst s6  }
0xf: {  	[smem:$0x3FB4] =	sst s7  }
0x10: {  	[smem:$0x3FB5] =	sst s8  }
0x11: {  	[smem:$0x3FB6] =	sst s9;
	s0 =	simm.s32 @!p0 $0x0  }
0x12: {  	s1 =	sld [smem:$0x3F9C];
	s0 =	simm.s32 @p0 $0x1  }
0x13: {  	[smem:$0x3FB7] =	sst s0;
	s0 =	simm.s32 @!p1 $0x0  }
0x14: {  	s2 =	sld [smem:$0x3F9B];
	s0 =	simm.s32 @p1 $0x1  }
0x15: {  	[smem:$0x3FB8] =	sst s0;
	s0 =	simm.s32 @!p2 $0x0  }
0x16: {  	s3 =	sld [smem:$0x3FDB];
	s0 =	simm.s32 @p2 $0x1  }
0x17: {  	s4 =	simm.s32 $0x1BF5;
	[smem:$0x3FBA] =	sst s0  }
0x18: {  	s0 =	sld [smem:$0x3F9D];
	_ =	swait.ge [sflag:s4], $0x0  }
0x19: {  	s7 =	sld [smem:$0x3F9E]  }
0x1a: {  	s8 =	sadd.s32 $0xFFFFE003, lr  }
0x1b: {  	s9 =	sadd.s32 $0xFFFFFEF7, lr;
	s5 =	simm.s32 $0xFFFFFFFF;
	p2 =	slt.u32 s8, $0xFFFFF086  }
0x1c: {  	p1 =	slt.u32 s9, $0xF7A;
	s5 =	simm.s32 @!p2 $0x0  }
0x1d: {  	s5 =	simm.s32 @p1 $0x1;
	p0 =	seq.s32 s7, s2  }
0x1e: {  	s7 =	smul.u32 @!p0 $0xF7A, s2;
	p2 =	seq.s32 @!p0 s5, $0x0  }
0x1f: {  	s9 =	smul.u32 $0xF7A, s1;
	s8 =	simm.s32 @!p0 $0x1BF5;
	p2 =	por !p2, p0  }
0x20: {  	[sflag:s8] =	ssyncset.s32 @!p0 $0xFFFFF086;
	s6 =	sadd.s32 @!p0 s3, s7;
	s7 =	simm.s32 @!p0 $0x108  }
0x21: {  	s3 =	sadd.s32 s3, s9;
	s6 =	sadd.s32 @!p0 $0x88, s6;
	s7 =	simm.s32 @p2 $0x1082  }
0x22: {  	[simem:s7], [sflag:s8] =	dma.local @!p0 [hbm:s6], $0xF7A  }
0x23: {  	s9 =	sor.u32 $0xD0000000, s2;
	s6 =	simm.s32 $0x108;
	_ =	swait.ge @!p0 [sflag:s8], $0x0  }
0x24: {  	s3 =	sadd.s32 $0x88, s3;
	s6 =	simm.s32 @!p1 $0x1082;
	[sflag:s4] =	ssyncset.s32 $0xFFFFF086  }
0x25: {  	[simem:s6], [sflag:s4] =	dma.local [hbm:s3], $0xF7A  }
0x26: {  	[smem:$0x3F9E] =	sst s1;
	(tag) =	ssettag s2;
	_ =	strace s9  }
0x27: {  	s1 =	sld [smem:$0x3FAE]  }
0x28: {  	s2 =	sld [smem:$0x3FAF]  }
0x29: {  	s4 =	sld [smem:$0x3FB1]  }
0x2a: {  	p0 =	seq.s32 s5, $0x0;
	s5 =	sld [smem:$0x3FB2]  }
0x2b: {  	s6 =	sld [smem:$0x3FB3]  }
0x2c: {  	s7 =	sld [smem:$0x3FB4]  }
0x2d: {  	s3 =	simm.s32 $0x108;
	s8 =	sld [smem:$0x3FB5]  }
0x2e: {  	s3 =	simm.s32 @!p0 $0x1082;
	s9 =	sld [smem:$0x3FB6]  }
0x2f: {  	lr =	sadd.s32 s0, s3;
	s0 =	sld [smem:$0x3FAD]  }
0x30: {  	s3 =	sld [smem:$0x3FB0]  }
0x31: {  	[smem:$0x3FB9] =	sst s10  }
0x32: {  	s10 =	sld [smem:$0x3FB7];
	_ =	sdelay $0x3  }
0x33: {  	p0 =	seq.s32 s10, $0x1;
	s10 =	sld [smem:$0x3FB9];
	_ =	sdelay $0x3  }
0x34: {  	[smem:$0x3FB9] =	sst s10  }
0x35: {  	s10 =	sld [smem:$0x3FB8];
	_ =	sdelay $0x3  }
0x36: {  	p1 =	seq.s32 s10, $0x1;
	s10 =	sld [smem:$0x3FB9];
	_ =	sdelay $0x3  }
0x37: {  	[smem:$0x3FB9] =	sst s10  }
0x38: {  	s10 =	sld [smem:$0x3FBA]  }
0x39: {  	_ = 	snop;
	(pc) =	sbr.ind lr, $3  }
0x3a: {  	_ = 	snop  }
0x3b: {  	_ = 	snop  }
0x3c: {  	p2 =	seq.s32 s10, $0x1;
	s10 =	sld [smem:$0x3FB9]  }
0x3d: {  	_ =	shalt  }
0x3e: {  	_ =	shalt  }
0x3f: {  	_ =	shalt  }
0x40: {  	_ =	shalt  }
0x41: {  	_ =	shalt  }
0x42: {  	_ =	shalt  }
0x43: {  	_ =	shalt  }
0x44: {  	_ =	shalt  }
0x45: {  	_ =	shalt  }
0x46: {  	_ =	shalt  }
0x47: {  	_ =	shalt  }
0x48: {  	_ =	shalt  }
0x49: {  	_ =	shalt  }
0x4a: {  	_ =	shalt  }
0x4b: {  	_ =	shalt  }
0x4c: {  	_ =	shalt  }
0x4d: {  	_ =	shalt  }
0x4e: {  	_ =	shalt  }
0x4f: {  	_ =	shalt  }
0x50: {  	_ =	shalt  }
0x51: {  	_ =	shalt  }
0x52: {  	_ =	shalt  }
0x53: {  	_ =	shalt  }
0x54: {  	_ =	shalt  }
0x55: {  	_ =	shalt  }
0x56: {  	_ =	shalt  }
0x57: {  	_ =	shalt  }
0x58: {  	_ =	shalt  }
0x59: {  	_ =	shalt  }
0x5a: {  	_ =	shalt  }
0x5b: {  	_ =	shalt  }
0x5c: {  	_ =	shalt  }
0x5d: {  	_ =	shalt  }
0x5e: {  	_ =	shalt  }
0x5f: {  	_ =	shalt  }
0x60: {  	_ =	shalt  }
0x61: {  	_ =	shalt  }
0x62: {  	_ =	shalt  }
0x63: {  	_ =	shalt  }
0x64: {  	_ =	shalt  }
0x65: {  	_ =	shalt  }
0x66: {  	_ =	shalt  }
0x67: {  	_ =	shalt  }
0x68: {  	_ =	shalt  }
0x69: {  	_ =	shalt  }
0x6a: {  	_ =	shalt  }
0x6b: {  	_ =	shalt  }
0x6c: {  	_ =	shalt  }
0x6d: {  	_ =	shalt  }
0x6e: {  	_ =	shalt  }
0x6f: {  	_ =	shalt  }
0x70: {  	_ =	shalt  }
0x71: {  	_ =	shalt  }
0x72: {  	_ =	shalt  }
0x73: {  	_ =	shalt  }
0x74: {  	_ =	shalt  }
0x75: {  	_ =	shalt  }
0x76: {  	_ =	shalt  }
0x77: {  	_ =	shalt  }
0x78: {  	_ =	shalt  }
0x79: {  	_ =	shalt  }
0x7a: {  	_ =	shalt  }
0x7b: {  	_ =	shalt  }
0x7c: {  	_ =	shalt  }
0x7d: {  	_ =	shalt  }
0x7e: {  	_ =	shalt  }
0x7f: {  	_ =	shalt  }
0x80: {  	_ =	shalt  }
0x81: {  	_ =	shalt  }
0x82: {  	_ =	shalt  }
0x83: {  	_ =	shalt  }
0x84: {  	_ =	shalt  }
0x85: {  	_ =	shalt  }
0x86: {  	_ =	shalt  }
0x87: {  	_ =	shalt  }
.Lfunc_end0:
.L_simem_size_0:
called_computation_lowered:
.L_overlay_start_0:
0x88: {  	s2 =	sld [smem:$0x3FD9]  }
0x89: {  	s3 =	sld [smem:$0x3FFE];
	_ =	sdelay $0x1  }
0x8a: {  	s1 =	srdreg.scid  }
0x8b: {  	s0 =	sand.u32 $0x1, s1  }
0x8c: {  	s14 =	sshll.u32 s0, $0xA;
	s2 =	sadd.s32 s3, s2  }
0x8d: {  	s2 =	sadd.s32 s2, s14  }
0x8e: {  	[smem:$0x3FC5] =	sst s2  }
0x8f: {  	_ = 	snop  }
0x90: {  	s2 =	sld [smem:$0x3FD0];
	_ =	sdelay $0x2  }
0x91: {  	s15 =	simm.s32 $0xA;
	s4 =	simm.s32 $0x10  }
0x92: {  	[smem:s4], [sflag:s15] =	dma.local [hbm:s2], $0x1  }
0x93: {  	_ =	swait.eq [sflag:s15], $0x1  }
0x94: {  	s16 =	sld [smem:$0x10];
	[sflag:s15] =	ssyncset.done $0x0  }
0x95: {  	s17 =	sld [smem:$0x11];
	[sflag:s15] =	ssyncadd.s32 $0xFFFFFFFF  }
0x96: {  	s18 =	sld [smem:$0x12];
	(tm) =	ssettm $0x1  }
0x97: {  	s5 =	sld [smem:$0x3FFB];
	_ =	sdelay $0x3  }
0x98: {  	_ =	strace s5  }
0x99: {  	s5 =	sld [smem:$0x3FFC];
	_ =	sdelay $0x3  }
0x9a: {  	_ =	strace s5  }
0x9b: {  	s5 =	sld [smem:$0x3FFD];
	_ =	sdelay $0x3  }
0x9c: {  	_ =	strace s5  }
0x9d: {  	_ =	strace $0x8FFFFFFF  }
0x9e: {  	s19 =	sld [smem:$0x3FDB];
	_ =	sdelay $0x1  }
0x9f: {  	s6 =	simm.s32 $_scs_section_size  }
0xa0: {  	s7 =	simm.s32 $_size__tile_overlayer_lowered;
	s8 =	simm.s32 $_tile_overlayer_lowered  }
0xa1: {  	s22 =	simm.s32 $0x1BFF;
	s21 =	sshll.u32 s8, $0x1;
	s5 =	sadd.s32 s6, s19  }
0xa2: {  	s9 =	simm.s32 $0x0;
	s20 =	sshll.u32 s7, $0x1;
	s7 =	sadd.s32 s21, s5  }
0xa3: {  	[timem:s9], [sflag:s22] =	dma.local [hbm:s7], s20  }
0xa4: {  	_ =	swait.ge [sflag:s22], s20  }
0xa5: {  	s6 =	ssub.s32 $0x0, s20;
	[sflag:s22] =	ssyncset.done $0x0  }
0xa6: {  	[sflag:s22] =	ssyncadd.s32 s6;
	_ =	sdelay $0x1  }
0xa7: {  	s23 =	simm.s32 $0x1B8B  }
0xa8: {  	_ =	swait.ge [sflag:s23], $0x1  }
0xa9: {  	[sflag:s23] =	ssyncset.done $0x0  }
0xaa: {  	s25 =	simm.s32 $0x1B8E;
	s24 =	sld [smem:$0x3FFE];
	[sflag:s23] =	ssyncadd.s32 $0xFFFFFFFF  }
0xab: {  	s26 =	simm.s32 $execute0_lowered;
	[smem:$0x3FD2] =	sst s25  }
0xac: {  	s7 =	sshll.u32 s26, $0x1;
	_ =	strace $0x80000046;
	[dreg:$0x1] =	wrdreg $0xFFFFFFFF  }
0xad: {  	s28 =	simm.s32 $_size_execute0_lowered;
	s5 =	sadd.s32 s5, s7;
	[dreg:$0x0] =	wrdreg $0x0  }
0xae: {  	s7 =	sshll.u32 s28, $0x1;
	[dreg:$0x2] =	wrdreg s5  }
0xaf: {  	[dreg:$0x3] =	wrdreg s7  }
0xb0: {  	[dreg:$0x4] =	wrdreg $0xC0  }
0xb1: {  	_ =	task [dreg:s9], $0x5FFFF  }
0xb2: {  	[dreg:$0x1] =	wrdreg $0xFFFFFFFF  }
0xb3: {  	[dreg:$0x0] =	wrdreg $0x60  }
0xb4: {  	[dreg:$0x2] =	wrdreg s24  }
0xb5: {  	[dreg:$0x3] =	wrdreg s16  }
0xb6: {  	[dreg:$0x4] =	wrdreg s18  }
0xb7: {  	[dreg:$0x5] =	wrdreg s17  }
0xb8: {  	[dreg:$0x6] =	wrdreg $0x9  }
0xb9: {  	_ =	task.clear_ibuf [dreg:s9], $0x7FFFF;
	_ =	strace $0x90000046  }
0xba: {  	s29 =	simm.s32 $0x9;
	_ =	strace $0x80000048  }
0xbb: {  	_ =	swait.ge [sflag:s29], $0x1  }
0xbc: {  	[sflag:s29] =	ssyncadd.s32 $0xFFFFFFFF  }
0xbd: {  	_ =	strace $0x90000048  }
0xbe: {  	_ =	sfence  }
0xbf: {  	s30 =	sld [smem:$0x0];
	_ =	sdelay $0x2  }
0xc0: {  	s31 =	sshll.u32 s1, $0xD;
	s1 =	sshrl.u32 s1, $0x2  }
0xc1: {  	s3 =	sand.u32 $0x4000, s31;
	s1 =	sadd.s32 s1, s30  }
0xc2: {  	s0 =	sor.u32 s3, s0;
	s1 =	sshll.u32 s1, $0x11  }
0xc3: {  	s0 =	sor.u32 s1, s0  }
0xc4: {  	s0 =	sadd.s32 $0x8F2B, s0  }
0xc5: {  	[sflag:s0] =	ssyncadd.remote.s32 $0x1  }
0xc6: {  	_ =	sfence.sel $0xFFFF  }
0xc7: {  	[dreg:$0x0] =	wrdreg $0xFFFFFFFF;
	(pc) =	sbr.abs _section_cstart, $3  }
0xc8: {  	[dreg:$0x1] =	wrdreg $0xFFFFFFFF  }
0xc9: {  	_ =	task.clear_ibuf [dreg:s9], $0x2FFFF;
	_ =	strace $0x9FFFFFFF  }
0xca: {  	(tm) =	ssettm $0x7FFFFFFF  }
0xcb: {  	_ =	shalt  }
tec
execute0_lowered:
.L_overlay_start_1:
0x0: {  	(tag) =	ssettag $0x1  }
0x1: {  	s8 =	rddreg [dreg:$0x0]  }
0x2: {  	s1 =	rddreg [dreg:$0x1]  }
0x3: {  	s2 =	rddreg [dreg:$0x2]  }
0x4: {  	s10 =	rddreg [dreg:$0x3]  }
0x5: {  	s0 =	rddreg [dreg:$0x4]  }
0x6: {  	s3 =	simm.s32 $0x0;
	s9 =	srdreg.scid;
	s4 =	stileid.u32  }
0x7: {  	s16 =	simm.s32 $0x900;
	s17 =	simm.s32 $0x1100;
	s18 =	simm.s32 $0x2100  }
0x8: {  	s19 =	simm.s32 $0x1900;
	s20 =	simm.s32 $0x400;
	s21 =	simm.s32 $0xA100  }
0x9: {  	s22 =	simm.s32 $0x0;
	[smem:$0x7FF] =	sst s3;
	s5 =	sadd.s32 $0x21400, s8  }
0xa: {  	s6 =	sadd.s32 $0x1400, s8;
	s7 =	sadd.s32 $0x41400, s8;
	s11 =	sand.u32 $0x1, s9  }
0xb: {  	s8 =	sadd.s32 $0x41600, s8;
	s12 =	sshll.u32 s4, $0x1;
	s14 =	sshll.u32 s4, $0x9  }
0xc: {  	s30 =	sshll.u32 s4, $0x10;
	_ =	strace $0x80000047;
	s9 =	ssub.s32 $0x2, s11  }
0xd: {  	s12 =	sor.u32 s11, s12;
	s14 =	sand.u32 $0x1800, s14;
	s31 =	sshll.u32 s11, $0xF  }
0xe: {  	s13 =	sshrl.u32 s9, $0x1;
	s15 =	sshll.u32 s12, $0x4;
	s10 =	sadd.s32 s10, s14  }
0xf: {  	s14 =	simm.s32 $0x80;
	s13 =	ssub.s32 s9, s13;
	s9 =	sshll.u32 s12, $0xF  }
0x10: {  	v0 =	vlaneseq.u32;
	s29 =	sand.u32 $0x70, s15;
	s12 =	sor.u32 s31, s30;
	s15 =	simm.s32 $0x100  }
0x11: {  	v1 =	vimm.s32 $0x0;
	v3 =	vimm.s32 $0x1;
	v2 =	vmul.u32 $0x800, v0;
	s10 =	sadd.s32 s29, s10;
	s11 =	smax.u32 s13, $0x1;
	s13 =	simm.s32 $0x1  }
.LBB2_1:
0x12: {  	[tilespmem:s3], [sflag:$0x1] =	stream.linear.gather [hbm4b:s2+s3], $0x80, $0x38;
	[tilespmem:$0xA900] =	vst v63  }
0x13: {  	_ =	swait.ge [sflag:s13], $0x80  }
0x14: {  	[sflag:s13] =	ssyncset.done $0x0  }
0x15: {  	[sflag:s13] =	ssyncadd.s32 $0xFFFFFF80  }
0x16: {  	[tilespmem:s14], [sflag:$0x1] =	stream.linear.gather [hbm4b:s7+s3], $0x80, $0x38;
	[tilespmem:$0xA900] =	vst v63  }
0x17: {  	_ =	swait.ge [sflag:s13], $0x80  }
0x18: {  	[sflag:s13] =	ssyncset.done $0x0  }
0x19: {  	[sflag:s13] =	ssyncadd.s32 $0xFFFFFF80  }
0x1a: {  	v13 =	vld [tilespmem:$0x0]  }
0x1b: {  	s23 =	simm.s32 $0x40;
	s24 =	simm.s32 $0x0;
	v4 =	vld [tilespmem:$0x80]  }
.LBB2_2:
0x1c: {  	p0 =	seq.s32 s23, $0x1FFC0;
	[tilespmem:s24+$0x2100] =	vst v1;
	s24 =	smov.u32 s23;
	s23 =	sadd.s32 $0x40, s23  }
.Ltmp0:
0x1d: {  	(pc) =	sbr.rel @!p0 .LBB2_2-.Ltmp0, $2  }
0x1e: {  	_ =	sdelay $0x2  }
0x1f: {  	s24 =	sshra.s32 s24, $0x2  }
0x20: {  	v5 =	vbroadcast v13, $0x0  }
0x21: {  	v6 =	vbroadcast v13, $0x1;
	v7 =	vbroadcast v13, $0x2  }
0x22: {  	v8 =	vbroadcast v13, $0x3;
	v9 =	vbroadcast v13, $0x4  }
0x23: {  	v10 =	vbroadcast v13, $0x5;
	v11 =	vbroadcast v13, $0x6  }
0x24: {  	[tilespmem:s24+$0x2100] =	vst v1;
	v12 =	vbroadcast v13, $0x7;
	v13 =	vbroadcast v13, $0x8;
	s23 =	simm.s32 $0x0;
	s24 =	smov.u32 s12;
	s25 =	simm.s32 $0x0  }
.LBB2_4:
0x25: {  	s26 =	sshll.u32 s25, $0xB  }
0x26: {  	s26 =	sadd.s32 s9, s26  }
0x27: {  	s26 =	sshrl.u32 s26, $0x3  }
0x28: {  	s28 =	sadd.s32 s5, s26  }
0x29: {  	[tilespmem:s15], [sflag:$0x1] =	stream.linear.gather [hbm4b:s28+s23], $0x800, $0x38;
	[tilespmem:$0xA900] =	vst v63  }
0x2a: {  	_ =	swait.ge [sflag:s13], $0x800  }
0x2b: {  	[sflag:s13] =	ssyncset.done $0x0  }
0x2c: {  	s28 =	sadd.s32 s6, s26;
	[sflag:s13] =	ssyncadd.s32 $0xFFFFF800  }
0x2d: {  	[tilespmem:s16], [sflag:$0x1] =	stream.linear.gather [hbm4b:s28+s23], $0x800, $0x38;
	[tilespmem:$0xA900] =	vst v63  }
0x2e: {  	_ =	swait.ge [sflag:s13], $0x800  }
0x2f: {  	[sflag:s13] =	ssyncset.done $0x0  }
0x30: {  	v14 =	vor.u32 s24, v0;
	s28 =	sadd.s32 s1, s26;
	[sflag:s13] =	ssyncadd.s32 $0xFFFFF800  }
0x31: {  	vm0 =	vge.s32 v14, v5;
	vm1 =	vge.s32 v14, v6;
	[tilespmem:s17], [sflag:$0x1] =	stream.linear.gather [hbm4b:s28+s23], $0x800, $0x38;
	[tilespmem:$0xA900] =	vst v63  }
0x32: {  	v15 =	vsel vm0, $0x1, v1;
	v16 =	vsel vm1, $0x1, v1;
	vm0 =	vge.s32 v14, v7;
	_ =	swait.ge [sflag:s13], $0x800  }
0x33: {  	s29 =	simm.s32 $0x40;
	v15 =	vadd.s32 v16, v15;
	v16 =	vsel vm0, $0x1, v1;
	vm0 =	vge.s32 v14, v8;
	[sflag:s13] =	ssyncset.done $0x0  }
0x34: {  	s30 =	smov.u32 s24;
	v15 =	vadd.s32 v16, v15;
	v16 =	vsel vm0, $0x1, v1;
	vm0 =	vge.s32 v14, v9;
	s28 =	simm.s32 $0x0;
	[sflag:s13] =	ssyncadd.s32 $0xFFFFF800  }
.LBB2_5:
0x35: {  	p0 =	sne.s32 s29, $0x1FC0;
	v17 =	vld [tilespmem:s28+$0x1100];
	v15 =	vadd.s32 v16, v15;
	v16 =	vsel vm0, $0x1, v1;
	vm0 =	vge.s32 v14, v10  }
0x36: {  	v18 =	vld [tilespmem:s28+$0x100];
	v15 =	vadd.s32 v16, v15;
	v16 =	vsel vm0, $0x1, v1;
	vm0 =	vge.s32 v14, v11  }
0x37: {  	v19 =	vld [tilespmem:s28+$0x900];
	v15 =	vadd.s32 v16, v15;
	v16 =	vsel vm0, $0x1, v1;
	vm0 =	vge.s32 v14, v12  }
0x38: {  	v15 =	vadd.s32 v16, v15;
	v16 =	vsel vm0, $0x1, v1;
	vm0 =	vge.s32 v14, v13  }
0x39: {  	v14 =	vadd.s32 v16, v15;
	v15 =	vsel vm0, $0x1, v1  }
0x3a: {  	v16 =	vtrunc.f32 v17;
	v14 =	vadd.s32 v15, v14  }
0x3b: {  	v15 =	vtrunc.f32 v18;
	v20 =	vcvt.f32.s32 v16;
	v14 =	vmul.u32 v4, v14  }
0x3c: {  	v21 =	vcvt.f32.s32 v15;
	vm0 =	vlt.f32 v18, v15;
	v15 =	vtrunc.f32 v19  }
0x3d: {  	v18 =	vsel vm0, $0xFFFFFFFF, v1;
	v22 =	vcvt.f32.s32 v15;
	vm0 =	vlt.f32 v19, v15  }
0x3e: {  	v15 =	vadd.s32 v21, v18;
	v18 =	vsel vm0, $0xFFFFFFFF, v1;
	vm0 =	vlt.f32 v17, v16  }
0x3f: {  	v16 =	vadd.s32 v22, v18;
	v17 =	vsel vm0, $0xFFFFFFFF, v1;
	v15 =	vmul.u32 $0x45D, v15  }
0x40: {  	v17 =	vadd.s32 v20, v17;
	v16 =	vmul.u32 $0x9F, v16  }
0x41: {  	v17 =	vmul.u32 $0x7B7, v17;
	v14 =	vxor.u32 v14, v15  }
0x42: {  	v14 =	vxor.u32 v16, v14  }
0x43: {  	v14 =	vxor.u32 v17, v14  }
0x44: {  	v15 =	vand.u32 $0x7FF, v14  }
0x45: {  	v16 =	vor.u32 v2, v15  }
0x46: {  	v14 =	vand.u32 $0x7F, v14;
	v16 =	vand.u32 $0x7F80, v16  }
0x47: {  	s30 =	sadd.s32 $0x10, s30;
	v17 =	vor.u32 v14, v16  }
.Ltmp1:
0x48: {  	v14 =	vor.u32 s30, v0;
	(pc) =	sbr.rel @p0 .LBB2_5-.Ltmp1, $4  }
0x49: {  	vm0 =	vge.s32 v14, v5;
	vm1 =	vge.s32 v14, v6  }
0x4a: {  	v16 =	vsel vm0, $0x1, v1;
	v18 =	vsel vm1, $0x1, v1;
	vm0 =	vge.s32 v14, v7  }
0x4b: {  	v16 =	vadd.s32 v18, v16;
	v18 =	vsel vm0, $0x1, v1;
	vm0 =	vge.s32 v14, v8;
	[tilespmem:s28+$0x1900] =	vst v15  }
0x4c: {  	s28 =	sshra.s32 s29, $0x2;
	v15 =	vadd.s32 v18, v16;
	v16 =	vsel vm0, $0x1, v1;
	vm0 =	vge.s32 v14, v9;
	s29 =	sadd.s32 $0x40, s29;
	[tilespmem:v17+s18+$0x0] =	vst.idx.add.s32.msk $0xffff, v3  }
0x4d: {  	v17 =	vld [tilespmem:s28+$0x1100];
	v15 =	vadd.s32 v16, v15;
	v56 =	vsel vm0, $0x1, v1;
	vm9 =	vge.s32 v14, v10  }
0x4e: {  	v18 =	vld [tilespmem:s28+$0x100];
	vm10 =	vge.s32 v14, v11;
	v15 =	vadd.s32 v56, v15;
	v57 =	vsel vm9, $0x1, v1  }
0x4f: {  	v19 =	vld [tilespmem:s28+$0x900];
	vm11 =	vge.s32 v14, v12;
	v58 =	vsel vm10, $0x1, v1;
	v15 =	vadd.s32 v57, v15  }
0x50: {  	vm12 =	vge.s32 v14, v13;
	v59 =	vsel vm11, $0x1, v1;
	v15 =	vadd.s32 v58, v15  }
0x51: {  	v14 =	vadd.s32 v59, v15;
	v15 =	vsel vm12, $0x1, v1  }
0x52: {  	v60 =	vtrunc.f32 v17;
	v14 =	vadd.s32 v15, v14  }
0x53: {  	v15 =	vtrunc.f32 v18;
	v20 =	vcvt.f32.s32 v60;
	v14 =	vmul.u32 v4, v14  }
0x54: {  	v21 =	vcvt.f32.s32 v15;
	vm13 =	vlt.f32 v18, v15;
	v15 =	vtrunc.f32 v19  }
0x55: {  	v18 =	vsel vm13, $0xFFFFFFFF, v1;
	v22 =	vcvt.f32.s32 v15;
	vm14 =	vlt.f32 v19, v15  }
0x56: {  	vm15 =	vlt.f32 v17, v60;
	v15 =	vadd.s32 v21, v18;
	v61 =	vsel vm14, $0xFFFFFFFF, v1  }
0x57: {  	v17 =	vsel vm15, $0xFFFFFFFF, v1;
	v62 =	vadd.s32 v22, v61;
	v15 =	vmul.u32 $0x45D, v15  }
0x58: {  	v17 =	vadd.s32 v20, v17;
	v16 =	vmul.u32 $0x9F, v62  }
0x59: {  	v17 =	vmul.u32 $0x7B7, v17;
	v14 =	vxor.u32 v14, v15  }
0x5a: {  	v14 =	vxor.u32 v16, v14  }
0x5b: {  	v14 =	vxor.u32 v17, v14  }
0x5c: {  	v15 =	vand.u32 $0x7FF, v14  }
0x5d: {  	v63 =	vor.u32 v2, v15  }
0x5e: {  	v14 =	vand.u32 $0x7F, v14;
	v16 =	vand.u32 $0x7F80, v63  }
0x5f: {  	v14 =	vor.u32 v14, v16;
	_ =	sdelay $0x2  }
0x60: {  	s25 =	sadd.s32 $0x1, s25  }
0x61: {  	p0 =	sne.s32 s25, $0x10;
	[tilespmem:s28+$0x1900] =	vst v15  }
.Ltmp2:
0x62: {  	s31 =	sadd.s32 s8, s26;
	s26 =	simm.s32 $0x0;
	[tilespmem:v14+s18+$0x0] =	vst.idx.add.s32.msk $0xffff, v3;
	(pc) =	sbr.rel @p0 .LBB2_4-.Ltmp2, $4  }
0x63: {  	[hbm4b:s31+s26] =	stream.linear.scatter [tilespmem:s19], [sflag:$0x1], $0x800, $0x38;
	[tilespmem:$0xA900] =	vst v63  }
0x64: {  	_ =	swait.ge [sflag:s13], $0x800  }
0x65: {  	[sflag:s13] =	ssyncset.done $0x0  }
0x66: {  	s24 =	sadd.s32 $0x800, s24;
	[sflag:s13] =	ssyncadd.s32 $0xFFFFF800  }
0x67: {  	s23 =	sand.u32 $0x7F0, s26  }
0x68: {  	s24 =	simm.s32 $0x2100;
	v4 =	vld [tilespmem:s23+$0x2900]  }
0x69: {  	v5 =	vld [tilespmem:s24+$0x0]  }
0x6a: {  	v6 =	vld [tilespmem:s23+$0x3100]  }
0x6b: {  	v7 =	vld [tilespmem:s23+$0x3900]  }
0x6c: {  	v8 =	vld [tilespmem:s23+$0x4100]  }
0x6d: {  	v9 =	vld [tilespmem:s23+$0x4900]  }
0x6e: {  	v4 =	vadd.s32 v5, v4;
	v5 =	vld [tilespmem:s23+$0x5100]  }
0x6f: {  	v4 =	vadd.s32 v6, v4;
	v6 =	vld [tilespmem:s23+$0x5900]  }
0x70: {  	v4 =	vadd.s32 v7, v4;
	v7 =	vld [tilespmem:s23+$0x6100]  }
0x71: {  	v60 =	vld [tilespmem:s23+$0x6900];
	v4 =	vadd.s32 v8, v4  }
0x72: {  	v61 =	vld [tilespmem:s23+$0x7100];
	v4 =	vadd.s32 v9, v4  }
0x73: {  	v4 =	vadd.s32 v5, v4;
	v5 =	vld [tilespmem:s23+$0x7900]  }
0x74: {  	v4 =	vadd.s32 v6, v4;
	v6 =	vld [tilespmem:s23+$0x8100]  }
0x75: {  	v4 =	vadd.s32 v7, v4;
	v7 =	vld [tilespmem:s23+$0x8900]  }
0x76: {  	v62 =	vld [tilespmem:s23+$0x9100];
	v4 =	vadd.s32 v60, v4  }
0x77: {  	v63 =	vld [tilespmem:s23+$0x9900];
	v4 =	vadd.s32 v61, v4  }
0x78: {  	v4 =	vadd.s32 v5, v4  }
0x79: {  	v4 =	vadd.s32 v6, v4  }
0x7a: {  	v4 =	vadd.s32 v7, v4  }
0x7b: {  	v4 =	vadd.s32 v62, v4  }
0x7c: {  	s31 =	simm.s32 $0x10;
	s23 =	simm.s32 $0xA100;
	v4 =	vadd.s32 v63, v4  }
0x7d: {  	s24 =	sand.u32 $0x7F0, s31;
	[tilespmem:s23+$0x0] =	vst v4  }
0x7e: {  	s26 =	simm.s32 $0x20;
	s25 =	simm.s32 $0x2110;
	v4 =	vld [tilespmem:s24+$0x2900]  }
.LBB2_8:
0x7f: {  	p0 =	sne.s32 s26, $0x7F0;
	v5 =	vld [tilespmem:s25+$0x0]  }
0x80: {  	v6 =	vld [tilespmem:s24+$0x3100]  }
0x81: {  	v7 =	vld [tilespmem:s24+$0x3900]  }
0x82: {  	v8 =	vld [tilespmem:s24+$0x4100]  }
0x83: {  	v9 =	vld [tilespmem:s24+$0x4900]  }
0x84: {  	v4 =	vadd.s32 v5, v4;
	v5 =	vld [tilespmem:s24+$0x5100]  }
0x85: {  	v4 =	vadd.s32 v6, v4;
	v6 =	vld [tilespmem:s24+$0x5900]  }
0x86: {  	v4 =	vadd.s32 v7, v4;
	v7 =	vld [tilespmem:s24+$0x6100]  }
0x87: {  	v4 =	vadd.s32 v8, v4;
	v8 =	vld [tilespmem:s24+$0x6900]  }
0x88: {  	v4 =	vadd.s32 v9, v4;
	v9 =	vld [tilespmem:s24+$0x7100]  }
0x89: {  	v4 =	vadd.s32 v5, v4;
	v5 =	vld [tilespmem:s24+$0x7900]  }
0x8a: {  	v4 =	vadd.s32 v6, v4;
	v6 =	vld [tilespmem:s24+$0x8100]  }
0x8b: {  	v4 =	vadd.s32 v7, v4;
	v7 =	vld [tilespmem:s24+$0x8900]  }
0x8c: {  	v4 =	vadd.s32 v8, v4;
	v8 =	vld [tilespmem:s24+$0x9100]  }
0x8d: {  	v4 =	vadd.s32 v9, v4;
	v9 =	vld [tilespmem:s24+$0x9900]  }
0x8e: {  	v4 =	vadd.s32 v5, v4  }
0x8f: {  	v4 =	vadd.s32 v6, v4  }
.Ltmp3:
0x90: {  	v4 =	vadd.s32 v7, v4;
	(pc) =	sbr.rel @p0 .LBB2_8-.Ltmp3, $4  }
0x91: {  	v4 =	vadd.s32 v8, v4  }
0x92: {  	s23 =	sadd.s32 $0x10, s23;
	v4 =	vadd.s32 v9, v4  }
0x93: {  	s24 =	sand.u32 $0x7F0, s26;
	[tilespmem:s23+$0x0] =	vst v4  }
0x94: {  	s25 =	sadd.s32 $0x10, s25;
	s26 =	sadd.s32 $0x10, s26;
	v4 =	vld [tilespmem:s24+$0x2900]  }
0x95: {  	v5 =	vld [tilespmem:s25+$0x0]  }
0x96: {  	v6 =	vld [tilespmem:s24+$0x3100]  }
0x97: {  	v7 =	vld [tilespmem:s24+$0x3900]  }
0x98: {  	v8 =	vld [tilespmem:s24+$0x4100]  }
0x99: {  	v9 =	vld [tilespmem:s24+$0x4900]  }
0x9a: {  	v4 =	vadd.s32 v5, v4;
	v5 =	vld [tilespmem:s24+$0x5100]  }
0x9b: {  	v56 =	vld [tilespmem:s24+$0x5900];
	v4 =	vadd.s32 v6, v4  }
0x9c: {  	v57 =	vld [tilespmem:s24+$0x6100];
	v4 =	vadd.s32 v7, v4  }
0x9d: {  	v58 =	vld [tilespmem:s24+$0x6900];
	v4 =	vadd.s32 v8, v4  }
0x9e: {  	v59 =	vld [tilespmem:s24+$0x7100];
	v4 =	vadd.s32 v9, v4  }
0x9f: {  	v4 =	vadd.s32 v5, v4;
	v5 =	vld [tilespmem:s24+$0x7900]  }
0xa0: {  	v60 =	vld [tilespmem:s24+$0x8100];
	v4 =	vadd.s32 v56, v4  }
0xa1: {  	v61 =	vld [tilespmem:s24+$0x8900];
	v4 =	vadd.s32 v57, v4  }
0xa2: {  	v62 =	vld [tilespmem:s24+$0x9100];
	v4 =	vadd.s32 v58, v4  }
0xa3: {  	v63 =	vld [tilespmem:s24+$0x9900];
	v4 =	vadd.s32 v59, v4  }
0xa4: {  	v4 =	vadd.s32 v5, v4  }
0xa5: {  	v4 =	vadd.s32 v60, v4  }
0xa6: {  	v4 =	vadd.s32 v61, v4  }
0xa7: {  	s22 =	sadd.s32 $0x1, s22;
	v4 =	vadd.s32 v62, v4  }
0xa8: {  	s23 =	sadd.s32 $0x10, s23;
	p0 =	sne.s32 s22, s11;
	v4 =	vadd.s32 v63, v4  }
.Ltmp4:
0xa9: {  	[tilespmem:s23+$0x0] =	vst v4;
	(pc) =	sbr.rel @p0 .LBB2_1-.Ltmp4, $4  }
0xaa: {  	[hbm4b:s10+s14] =	stream.strided.scatter [tilespmem:s21], [sflag:$0x1], $0x800, s20, s14, $0x38;
	[tilespmem:$0xA900] =	vst v63  }
0xab: {  	_ =	swait.ge [sflag:s13], $0x800  }
0xac: {  	[sflag:s13] =	ssyncset.done $0x0  }
0xad: {  	[sflag:s13] =	ssyncadd.s32 $0xFFFFF800  }
0xae: {  	_ =	sfence.sel $0x180000  }
0xaf: {  	[bflag:$0x0] =	sbarrier.arrive $0xFFFF  }
0xb0: {  	p0 =	sne.s32 s4, $0x0;
	_ =	strace $0x90000047  }
0xb1: {  	s0 =	sadd.s32 @!p0 $0x100000, s0;
	[bflag:$0x2] =	sbarrier.arrive $0xFFFF  }
0xb2: {  	[sflag:s0] =	ssyncadd.tile.s32 @!p0 $0x1;
	_ =	shalt  }
.Lfunc_end2:
_tile_overlayer_lowered:
.L_overlay_start_2:
0xb3: {  	(tag) =	ssettag $0x2  }
0xb4: {  	s0 =	rddreg [dreg:$0x0];
	s2 =	stileid.u32  }
0xb5: {  	s1 =	rddreg [dreg:$0x1];
	p0 =	sne.s32 s2, $0x0  }
0xb6: {  	s3 =	rddreg [dreg:$0x2];
	[bflag:$0x3] =	sbarrier.arrive $0xFFFF;
	s2 =	simm.s32 @!p0 $0x1C01  }
0xb7: {  	[timem:s3], [sflag:s2] =	dma.local @!p0 [hbm:s0], s1  }
0xb8: {  	s0 =	simm.s32 @!p0 $0x1  }
0xb9: {  	_ =	swait.ge @!p0 [sflag:s0], s1  }
0xba: {  	s1 =	ssub.s32 @!p0 $0x0, s1;
	[sflag:s0] =	ssyncset.done @!p0 $0x0  }
0xbb: {  	[sflag:s0] =	ssyncadd.s32 @!p0 s1  }
0xbc: {  	[bflag:$0x3] =	sbarrier.arrive $0xFFFF  }
0xbd: {  	_ =	shalt  }

// kernel: kernel.8.cloned.1.call-start
scs
__scs_entry_jumppad:
0x0: {  	(pc) =	sbr.rel $0x88, $3  }
0x1: {  	(tag) =	ssettag $0x0;
	lr =	simm.s32 $0x1  }
0x2: {  	[smem:$0x3F9E] =	sst lr;
	_ =	strace $0xD0000000  }
0x3: {  	_ = 	snop  }
0x4: {  	_ = 	snop  }
0x5: {  	_ = 	snop  }
0x6: {  	_ = 	snop  }
0x7: {  	_ = 	snop  }
__scs_overlays_trampoline_lowered:
0x8: {  	[smem:$0x3FAD] =	sst s0  }
0x9: {  	[smem:$0x3FAE] =	sst s1  }
0xa: {  	[smem:$0x3FAF] =	sst s2  }
0xb: {  	[smem:$0x3FB0] =	sst s3  }
0xc: {  	[smem:$0x3FB1] =	sst s4  }
0xd: {  	[smem:$0x3FB2] =	sst s5  }
0xe: {  	[smem:$0x3FB3] =	sst s6  }
0xf: {  	[smem:$0x3FB4] =	sst s7  }
0x10: {  	[smem:$0x3FB5] =	sst s8  }
0x11: {  	[smem:$0x3FB6] =	sst s9;
	s0 =	simm.s32 @!p0 $0x0  }
0x12: {  	s1 =	sld [smem:$0x3F9C];
	s0 =	simm.s32 @p0 $0x1  }
0x13: {  	[smem:$0x3FB7] =	sst s0;
	s0 =	simm.s32 @!p1 $0x0  }
0x14: {  	s2 =	sld [smem:$0x3F9B];
	s0 =	simm.s32 @p1 $0x1  }
0x15: {  	[smem:$0x3FB8] =	sst s0;
	s0 =	simm.s32 @!p2 $0x0  }
0x16: {  	s3 =	sld [smem:$0x3FDB];
	s0 =	simm.s32 @p2 $0x1  }
0x17: {  	s4 =	simm.s32 $0x1BF5;
	[smem:$0x3FBA] =	sst s0  }
0x18: {  	s0 =	sld [smem:$0x3F9D];
	_ =	swait.ge [sflag:s4], $0x0  }
0x19: {  	s7 =	sld [smem:$0x3F9E]  }
0x1a: {  	s8 =	sadd.s32 $0xFFFFE003, lr  }
0x1b: {  	s9 =	sadd.s32 $0xFFFFFEF7, lr;
	s5 =	simm.s32 $0xFFFFFFFF;
	p2 =	slt.u32 s8, $0xFFFFF086  }
0x1c: {  	p1 =	slt.u32 s9, $0xF7A;
	s5 =	simm.s32 @!p2 $0x0  }
0x1d: {  	s5 =	simm.s32 @p1 $0x1;
	p0 =	seq.s32 s7, s2  }
0x1e: {  	s7 =	smul.u32 @!p0 $0xF7A, s2;
	p2 =	seq.s32 @!p0 s5, $0x0  }
0x1f: {  	s9 =	smul.u32 $0xF7A, s1;
	s8 =	simm.s32 @!p0 $0x1BF5;
	p2 =	por !p2, p0  }
0x20: {  	[sflag:s8] =	ssyncset.s32 @!p0 $0xFFFFF086;
	s6 =	sadd.s32 @!p0 s3, s7;
	s7 =	simm.s32 @!p0 $0x108  }
0x21: {  	s3 =	sadd.s32 s3, s9;
	s6 =	sadd.s32 @!p0 $0x88, s6;
	s7 =	simm.s32 @p2 $0x1082  }
0x22: {  	[simem:s7], [sflag:s8] =	dma.local @!p0 [hbm:s6], $0xF7A  }
0x23: {  	s9 =	sor.u32 $0xD0000000, s2;
	s6 =	simm.s32 $0x108;
	_ =	swait.ge @!p0 [sflag:s8], $0x0  }
0x24: {  	s3 =	sadd.s32 $0x88, s3;
	s6 =	simm.s32 @!p1 $0x1082;
	[sflag:s4] =	ssyncset.s32 $0xFFFFF086  }
0x25: {  	[simem:s6], [sflag:s4] =	dma.local [hbm:s3], $0xF7A  }
0x26: {  	[smem:$0x3F9E] =	sst s1;
	(tag) =	ssettag s2;
	_ =	strace s9  }
0x27: {  	s1 =	sld [smem:$0x3FAE]  }
0x28: {  	s2 =	sld [smem:$0x3FAF]  }
0x29: {  	s4 =	sld [smem:$0x3FB1]  }
0x2a: {  	p0 =	seq.s32 s5, $0x0;
	s5 =	sld [smem:$0x3FB2]  }
0x2b: {  	s6 =	sld [smem:$0x3FB3]  }
0x2c: {  	s7 =	sld [smem:$0x3FB4]  }
0x2d: {  	s3 =	simm.s32 $0x108;
	s8 =	sld [smem:$0x3FB5]  }
0x2e: {  	s3 =	simm.s32 @!p0 $0x1082;
	s9 =	sld [smem:$0x3FB6]  }
0x2f: {  	lr =	sadd.s32 s0, s3;
	s0 =	sld [smem:$0x3FAD]  }
0x30: {  	s3 =	sld [smem:$0x3FB0]  }
0x31: {  	[smem:$0x3FB9] =	sst s10  }
0x32: {  	s10 =	sld [smem:$0x3FB7];
	_ =	sdelay $0x3  }
0x33: {  	p0 =	seq.s32 s10, $0x1;
	s10 =	sld [smem:$0x3FB9];
	_ =	sdelay $0x3  }
0x34: {  	[smem:$0x3FB9] =	sst s10  }
0x35: {  	s10 =	sld [smem:$0x3FB8];
	_ =	sdelay $0x3  }
0x36: {  	p1 =	seq.s32 s10, $0x1;
	s10 =	sld [smem:$0x3FB9];
	_ =	sdelay $0x3  }
0x37: {  	[smem:$0x3FB9] =	sst s10  }
0x38: {  	s10 =	sld [smem:$0x3FBA]  }
0x39: {  	_ = 	snop;
	(pc) =	sbr.ind lr, $3  }
0x3a: {  	_ = 	snop  }
0x3b: {  	_ = 	snop  }
0x3c: {  	p2 =	seq.s32 s10, $0x1;
	s10 =	sld [smem:$0x3FB9]  }
0x3d: {  	_ =	shalt  }
0x3e: {  	_ =	shalt  }
0x3f: {  	_ =	shalt  }
0x40: {  	_ =	shalt  }
0x41: {  	_ =	shalt  }
0x42: {  	_ =	shalt  }
0x43: {  	_ =	shalt  }
0x44: {  	_ =	shalt  }
0x45: {  	_ =	shalt  }
0x46: {  	_ =	shalt  }
0x47: {  	_ =	shalt  }
0x48: {  	_ =	shalt  }
0x49: {  	_ =	shalt  }
0x4a: {  	_ =	shalt  }
0x4b: {  	_ =	shalt  }
0x4c: {  	_ =	shalt  }
0x4d: {  	_ =	shalt  }
0x4e: {  	_ =	shalt  }
0x4f: {  	_ =	shalt  }
0x50: {  	_ =	shalt  }
0x51: {  	_ =	shalt  }
0x52: {  	_ =	shalt  }
0x53: {  	_ =	shalt  }
0x54: {  	_ =	shalt  }
0x55: {  	_ =	shalt  }
0x56: {  	_ =	shalt  }
0x57: {  	_ =	shalt  }
0x58: {  	_ =	shalt  }
0x59: {  	_ =	shalt  }
0x5a: {  	_ =	shalt  }
0x5b: {  	_ =	shalt  }
0x5c: {  	_ =	shalt  }
0x5d: {  	_ =	shalt  }
0x5e: {  	_ =	shalt  }
0x5f: {  	_ =	shalt  }
0x60: {  	_ =	shalt  }
0x61: {  	_ =	shalt  }
0x62: {  	_ =	shalt  }
0x63: {  	_ =	shalt  }
0x64: {  	_ =	shalt  }
0x65: {  	_ =	shalt  }
0x66: {  	_ =	shalt  }
0x67: {  	_ =	shalt  }
0x68: {  	_ =	shalt  }
0x69: {  	_ =	shalt  }
0x6a: {  	_ =	shalt  }
0x6b: {  	_ =	shalt  }
0x6c: {  	_ =	shalt  }
0x6d: {  	_ =	shalt  }
0x6e: {  	_ =	shalt  }
0x6f: {  	_ =	shalt  }
0x70: {  	_ =	shalt  }
0x71: {  	_ =	shalt  }
0x72: {  	_ =	shalt  }
0x73: {  	_ =	shalt  }
0x74: {  	_ =	shalt  }
0x75: {  	_ =	shalt  }
0x76: {  	_ =	shalt  }
0x77: {  	_ =	shalt  }
0x78: {  	_ =	shalt  }
0x79: {  	_ =	shalt  }
0x7a: {  	_ =	shalt  }
0x7b: {  	_ =	shalt  }
0x7c: {  	_ =	shalt  }
0x7d: {  	_ =	shalt  }
0x7e: {  	_ =	shalt  }
0x7f: {  	_ =	shalt  }
0x80: {  	_ =	shalt  }
0x81: {  	_ =	shalt  }
0x82: {  	_ =	shalt  }
0x83: {  	_ =	shalt  }
0x84: {  	_ =	shalt  }
0x85: {  	_ =	shalt  }
0x86: {  	_ =	shalt  }
0x87: {  	_ =	shalt  }
.Lfunc_end0:
.L_simem_size_0:
called_computation.1_lowered:
.L_overlay_start_0:
0x88: {  	s2 =	sld [smem:$0x3FD9]  }
0x89: {  	s3 =	sld [smem:$0x3FFE];
	_ =	sdelay $0x1  }
0x8a: {  	s1 =	srdreg.scid  }
0x8b: {  	s0 =	sand.u32 $0x1, s1  }
0x8c: {  	s14 =	sshll.u32 s0, $0xA;
	s2 =	sadd.s32 s3, s2  }
0x8d: {  	s2 =	sadd.s32 s2, s14  }
0x8e: {  	[smem:$0x3FC5] =	sst s2  }
0x8f: {  	_ = 	snop  }
0x90: {  	s2 =	sld [smem:$0x3FD0];
	_ =	sdelay $0x2  }
0x91: {  	s15 =	simm.s32 $0xA;
	s4 =	simm.s32 $0x10  }
0x92: {  	[smem:s4], [sflag:s15] =	dma.local [hbm:s2], $0x1  }
0x93: {  	_ =	swait.eq [sflag:s15], $0x1  }
0x94: {  	s16 =	sld [smem:$0x10];
	[sflag:s15] =	ssyncset.done $0x0  }
0x95: {  	s17 =	sld [smem:$0x11];
	[sflag:s15] =	ssyncadd.s32 $0xFFFFFFFF  }
0x96: {  	s18 =	sld [smem:$0x12];
	(tm) =	ssettm $0x1  }
0x97: {  	s5 =	sld [smem:$0x3FFB];
	_ =	sdelay $0x3  }
0x98: {  	_ =	strace s5  }
0x99: {  	s5 =	sld [smem:$0x3FFC];
	_ =	sdelay $0x3  }
0x9a: {  	_ =	strace s5  }
0x9b: {  	s5 =	sld [smem:$0x3FFD];
	_ =	sdelay $0x3  }
0x9c: {  	_ =	strace s5  }
0x9d: {  	_ =	strace $0x8FFFFFFF  }
0x9e: {  	s19 =	sld [smem:$0x3FDB];
	_ =	sdelay $0x1  }
0x9f: {  	s6 =	simm.s32 $_scs_section_size  }
0xa0: {  	s7 =	simm.s32 $_size__tile_overlayer_lowered;
	s8 =	simm.s32 $_tile_overlayer_lowered  }
0xa1: {  	s22 =	simm.s32 $0x1BFF;
	s21 =	sshll.u32 s8, $0x1;
	s5 =	sadd.s32 s6, s19  }
0xa2: {  	s9 =	simm.s32 $0x0;
	s20 =	sshll.u32 s7, $0x1;
	s7 =	sadd.s32 s21, s5  }
0xa3: {  	[timem:s9], [sflag:s22] =	dma.local [hbm:s7], s20  }
0xa4: {  	_ =	swait.ge [sflag:s22], s20  }
0xa5: {  	s6 =	ssub.s32 $0x0, s20;
	[sflag:s22] =	ssyncset.done $0x0  }
0xa6: {  	[sflag:s22] =	ssyncadd.s32 s6;
	_ =	sdelay $0x1  }
0xa7: {  	s23 =	simm.s32 $0x1B8B  }
0xa8: {  	_ =	swait.ge [sflag:s23], $0x1  }
0xa9: {  	[sflag:s23] =	ssyncset.done $0x0  }
0xaa: {  	s25 =	simm.s32 $0x1B8E;
	s24 =	sld [smem:$0x3FFE];
	[sflag:s23] =	ssyncadd.s32 $0xFFFFFFFF  }
0xab: {  	s26 =	simm.s32 $execute0_lowered;
	[smem:$0x3FD2] =	sst s25  }
0xac: {  	s7 =	sshll.u32 s26, $0x1;
	_ =	strace $0x80000049;
	[dreg:$0x1] =	wrdreg $0xFFFFFFFF  }
0xad: {  	s28 =	simm.s32 $_size_execute0_lowered;
	s5 =	sadd.s32 s5, s7;
	[dreg:$0x0] =	wrdreg $0x0  }
0xae: {  	s7 =	sshll.u32 s28, $0x1;
	[dreg:$0x2] =	wrdreg s5  }
0xaf: {  	[dreg:$0x3] =	wrdreg s7  }
0xb0: {  	[dreg:$0x4] =	wrdreg $0xC0  }
0xb1: {  	_ =	task [dreg:s9], $0x5FFFF  }
0xb2: {  	[dreg:$0x1] =	wrdreg $0xFFFFFFFF  }
0xb3: {  	[dreg:$0x0] =	wrdreg $0x60  }
0xb4: {  	[dreg:$0x2] =	wrdreg s24  }
0xb5: {  	[dreg:$0x3] =	wrdreg s16  }
0xb6: {  	[dreg:$0x4] =	wrdreg s17  }
0xb7: {  	[dreg:$0x5] =	wrdreg s18  }
0xb8: {  	[dreg:$0x6] =	wrdreg $0x9  }
0xb9: {  	_ =	task.clear_ibuf [dreg:s9], $0x7FFFF;
	_ =	strace $0x90000049  }
0xba: {  	s29 =	simm.s32 $0x9;
	_ =	strace $0x8000004B  }
0xbb: {  	_ =	swait.ge [sflag:s29], $0x1  }
0xbc: {  	[sflag:s29] =	ssyncadd.s32 $0xFFFFFFFF  }
0xbd: {  	_ =	strace $0x9000004B  }
0xbe: {  	_ =	sfence  }
0xbf: {  	s30 =	sld [smem:$0x0];
	_ =	sdelay $0x2  }
0xc0: {  	s31 =	sshll.u32 s1, $0xD;
	s1 =	sshrl.u32 s1, $0x2  }
0xc1: {  	s3 =	sand.u32 $0x4000, s31;
	s1 =	sadd.s32 s1, s30  }
0xc2: {  	s0 =	sor.u32 s3, s0;
	s1 =	sshll.u32 s1, $0x11  }
0xc3: {  	s0 =	sor.u32 s1, s0  }
0xc4: {  	s0 =	sadd.s32 $0x8F2B, s0  }
0xc5: {  	[sflag:s0] =	ssyncadd.remote.s32 $0x1  }
0xc6: {  	_ =	sfence.sel $0xFFFF  }
0xc7: {  	[dreg:$0x0] =	wrdreg $0xFFFFFFFF;
	(pc) =	sbr.abs _section_cstart, $3  }
0xc8: {  	[dreg:$0x1] =	wrdreg $0xFFFFFFFF  }
0xc9: {  	_ =	task.clear_ibuf [dreg:s9], $0x2FFFF;
	_ =	strace $0x9FFFFFFF  }
0xca: {  	(tm) =	ssettm $0x7FFFFFFF  }
0xcb: {  	_ =	shalt  }
tec
execute0_lowered:
.L_overlay_start_1:
0x0: {  	(tag) =	ssettag $0x1  }
0x1: {  	s0 =	rddreg [dreg:$0x0]  }
0x2: {  	s1 =	rddreg [dreg:$0x1]  }
0x3: {  	s2 =	rddreg [dreg:$0x2]  }
0x4: {  	s4 =	rddreg [dreg:$0x3]  }
0x5: {  	s3 =	simm.s32 $0x0;
	s8 =	srdreg.scid;
	s14 =	stileid.u32  }
0x6: {  	s17 =	simm.s32 $0x2;
	s18 =	simm.s32 $0x10000;
	s19 =	simm.s32 $0x14010  }
0x7: {  	s20 =	simm.s32 $0x800;
	s21 =	simm.s32 $0x13810;
	s22 =	simm.s32 $0x1  }
0x8: {  	s23 =	simm.s32 $0x13010;
	s24 =	simm.s32 $0x0;
	[smem:$0x7FF] =	sst s3  }
0x9: {  	s5 =	sadd.s32 $0x41600, s0;
	s6 =	sadd.s32 $0x21400, s0;
	s7 =	sadd.s32 $0x1400, s0  }
0xa: {  	s8 =	sand.u32 $0x1, s8;
	s9 =	sadd.s32 $0x61600, s0;
	s10 =	sshll.u32 s14, $0x1  }
0xb: {  	s14 =	sshll.u32 s14, $0xE;
	_ =	strace $0x8000004A;
	[dreg:$0x5] =	wrdreg s9  }
0xc: {  	s11 =	ssub.s32 $0x2, s8;
	s9 =	sadd.s32 $0x63600, s0;
	s10 =	sor.u32 s8, s10  }
0xd: {  	s8 =	sshll.u32 s8, $0xD;
	s29 =	sshrl.u32 s11, $0x1;
	s12 =	sshll.u32 s10, $0x3  }
0xe: {  	s13 =	sshll.u32 s10, $0x6;
	s31 =	sor.u32 s8, s14;
	s15 =	ssub.s32 $0x20, s10  }
0xf: {  	p0 =	seq.s32 s10, $0x0;
	s0 =	ssub.s32 s11, s29;
	s4 =	sadd.s32 s4, s12  }
0x10: {  	s11 =	sshll.u32 s10, $0xC;
	s30 =	sor.u32 $0x10800, s13;
	[dreg:$0x6] =	wrdreg s4  }
0x11: {  	v0 =	vlaneseq.u32;
	s16 =	sshrl.u32 s31, $0x2;
	[dreg:$0x7] =	wrdreg s30;
	s14 =	smax.u32 s0, $0x1  }
.LBB2_1:
0x12: {  	s0 =	rddreg [dreg:$0x5]  }
0x13: {  	[tilespmem:s3], [sflag:$0x2] =	stream.linear.gather [hbm4b:s0+s3], $0x10000, $0x38;
	[tilespmem:$0x1C010] =	vst v63  }
0x14: {  	_ =	swait.ge [sflag:s17], $0x10000  }
0x15: {  	s4 =	simm.s32 $0x0;
	[sflag:s17] =	ssyncset.done $0x0  }
0x16: {  	s8 =	simm.s32 $0x0;
	s0 =	smov.u32 s16;
	[sflag:s17] =	ssyncadd.s32 $0xFFFF0000  }
.LBB2_2:
.Ltmp0:
0x17: {  	(pc) =	sbr.rel @p0 .LBB2_6-.Ltmp0, $2  }
0x18: {  	_ =	sdelay $0x2  }
0x19: {  	v1 =	vimm.s32 $0x0  }
0x1a: {  	p1 =	sne.s32 s10, $0x1  }
.Ltmp1:
0x1b: {  	_ = 	snop;
	(pc) =	sbr.rel @!p1 .LBB2_5-.Ltmp1, $2  }
0x1c: {  	_ =	sdelay $0x2  }
0x1d: {  	s12 =	sadd.s32 $0xFFFFFFFF, s10;
	v2 =	vld [tilespmem:s4+$0x0];
	s25 =	smov.u32 s4  }
.LBB2_4:
0x1e: {  	p1 =	sne.s32 s12, $0x1  }
.Ltmp2:
0x1f: {  	_ = 	snop;
	(pc) =	sbr.rel @p1 .LBB2_4-.Ltmp2, $3  }
0x20: {  	_ =	sdelay $0x1  }
0x21: {  	s12 =	sadd.s32 $0xFFFFFFFF, s12;
	s25 =	sadd.s32 $0x800, s25;
	v1 =	vadd.s32 v1, v2  }
0x22: {  	v2 =	vld [tilespmem:s25+$0x0]  }
.LBB2_5:
0x23: {  	_ =	sdelay $0x3  }
0x24: {  	v1 =	vadd.s32 v1, v2  }
.LBB2_6:
0x25: {  	p1 =	sne.s32 s15, $0x1  }
.Ltmp3:
0x26: {  	_ = 	snop;
	(pc) =	sbr.rel @!p1 .LBB2_8-.Ltmp3, $4  }
0x27: {  	_ = 	snop  }
0x28: {  	s12 =	sshll.u32 s8, $0x4  }
0x29: {  	[tilespmem:s12+$0x10000] =	vst v1  }
0x2a: {  	s25 =	sadd.s32 $0xFFFFFFFF, s15;
	s26 =	smov.u32 s0;
	v2 =	vld [tilespmem:s0+$0x0]  }
.LBB2_7:
0x2b: {  	p1 =	sne.s32 s25, $0x1  }
.Ltmp4:
0x2c: {  	_ = 	snop;
	(pc) =	sbr.rel @p1 .LBB2_7-.Ltmp4, $3  }
0x2d: {  	_ =	sdelay $0x1  }
0x2e: {  	s25 =	sadd.s32 $0xFFFFFFFF, s25;
	s26 =	sadd.s32 $0x800, s26;
	v1 =	vadd.s32 v1, v2  }
0x2f: {  	v2 =	vld [tilespmem:s26+$0x0]  }
.LBB2_8:
0x30: {  	s8 =	sadd.s32 $0x1, s8  }
0x31: {  	p1 =	sne.s32 s8, $0x80  }
.Ltmp5:
0x32: {  	_ = 	snop;
	(pc) =	sbr.rel @p1 .LBB2_2-.Ltmp5, $3  }
0x33: {  	_ =	sdelay $0x1  }
0x34: {  	v1 =	vadd.s32 v1, v2  }
0x35: {  	s4 =	sadd.s32 $0x10, s4;
	s0 =	sadd.s32 $0x10, s0;
	[tilespmem:s12+$0x10800] =	vst v1  }
0x36: {  	s0 =	rddreg [dreg:$0x6]  }
0x37: {  	s25 =	simm.s32 $0x0;
	s4 =	rddreg [dreg:$0x7]  }
0x38: {  	[hbm4b:s0+s25] =	stream.linear.scatter [tilespmem:s4], [sflag:$0x2], $0x40, $0x38;
	[tilespmem:$0x1C010] =	vst v63  }
0x39: {  	_ =	swait.ge [sflag:s17], $0x40  }
0x3a: {  	[sflag:s17] =	ssyncset.done $0x0  }
0x3b: {  	s26 =	simm.s32 $0x0;
	[sflag:s17] =	ssyncadd.s32 $0xFFFFFFC0  }
.LBB2_10:
0x3c: {  	s0 =	sshll.u32 s26, $0x8  }
0x3d: {  	s28 =	sadd.s32 s11, s0  }
0x3e: {  	s29 =	simm.s32 $0x11010;
	s0 =	sadd.s32 s5, s28  }
0x3f: {  	[tilespmem:s29], [sflag:$0x2] =	stream.linear.gather [hbm4b:s0+s25], $0x800, $0x38;
	[tilespmem:$0x1C010] =	vst v63  }
0x40: {  	_ =	swait.ge [sflag:s17], $0x800  }
0x41: {  	[sflag:s17] =	ssyncset.done $0x0  }
0x42: {  	s4 =	simm.s32 $0x11810;
	s8 =	sadd.s32 s6, s28;
	[sflag:s17] =	ssyncadd.s32 $0xFFFFF800  }
0x43: {  	[tilespmem:s4], [sflag:$0x2] =	stream.linear.gather [hbm4b:s8+s25], $0x800, $0x38;
	[tilespmem:$0x1C010] =	vst v63  }
0x44: {  	_ =	swait.ge [sflag:s17], $0x800  }
0x45: {  	[sflag:s17] =	ssyncset.done $0x0  }
0x46: {  	s12 =	sadd.s32 s7, s28;
	s8 =	simm.s32 $0x12010;
	[sflag:s17] =	ssyncadd.s32 $0xFFFFF800  }
0x47: {  	[tilespmem:s8], [sflag:$0x2] =	stream.linear.gather [hbm4b:s12+s25], $0x800, $0x38;
	[tilespmem:$0x1C010] =	vst v63  }
0x48: {  	_ =	swait.ge [sflag:s17], $0x800  }
0x49: {  	[sflag:s17] =	ssyncset.done $0x0  }
0x4a: {  	s13 =	sadd.s32 s1, s28;
	s12 =	simm.s32 $0x12810;
	[sflag:s17] =	ssyncadd.s32 $0xFFFFF800  }
0x4b: {  	[tilespmem:s12], [sflag:$0x2] =	stream.linear.gather [hbm4b:s13+s25], $0x800, $0x38;
	[tilespmem:$0x1C010] =	vst v63  }
0x4c: {  	_ =	swait.ge [sflag:s17], $0x800  }
0x4d: {  	[sflag:s17] =	ssyncset.done $0x0  }
0x4e: {  	[sflag:s17] =	ssyncadd.s32 $0xFFFFF800  }
0x4f: {  	v1 =	vld [tilespmem:s29+$0x0];
	_ =	sdelay $0x4  }
0x50: {  	(xrf1) =	vunique.msk.u32 $0xffff, v1;
	_ =	sdelay $0xb  }
0x51: {  	v2 =	vld.idx.msk [tilespmem:v1+s18+$0x0], $0xffff;
	_ =	sdelay $0x1  }
0x52: {  	_, v3, vm0 =	vpop (xrf1);
	_ =	sdelay $0x2  }
0x53: {  	v2 =	vadd.s32 v2, v3  }
0x54: {  	v5 =	vshll.u32 v1, $0x9;
	v3 =	vor.u32 s25, v0;
	v4 =	vadd.s32 $0xFFFFFFFF, v2  }
0x55: {  	v6 =	vand.u32 $0x3F, v3;
	vm1 =	vlt.s32 v4, $0x200;
	v4 =	vadd.s32 v5, v4  }
0x56: {  	s30 =	simm.s32 $0x13010;
	v63 =	vor.u32 $0x100000, v6;
	[tilespmem:v1+s18+$0x0] =	vst.idx.msk vm0, v2;
	v1 =	vnsel vm1, $0xFFFFFFFF, v4  }
0x57: {  	s31 =	simm.s32 $0x13810;
	v2 =	vsel vm1, v4, v63;
	[tilespmem:s30+$0x0] =	vst v1  }
0x58: {  	[tilespmem:s31+$0x0] =	vst v2  }
0x59: {  	v2 =	vshll.u32 v3, $0x4;
	v1 =	vld [tilespmem:s4+$0x0];
	_ =	sdelay $0x4  }
0x5a: {  	[tilespmem:v2+s19+$0x0] =	vst.idx.msk $0xffff, v1  }
0x5b: {  	v3 =	vor.u32 $0x1, v2;
	v1 =	vld [tilespmem:s8+$0x0];
	_ =	sdelay $0x4  }
0x5c: {  	[tilespmem:v3+s19+$0x0] =	vst.idx.msk $0xffff, v1  }
0x5d: {  	v2 =	vor.u32 $0x2, v2;
	v1 =	vld [tilespmem:s12+$0x0];
	_ =	sdelay $0x2  }
0x5e: {  	s0 =	simm.s32 $0x10  }
0x5f: {  	s4 =	simm.s32 $0x11820;
	s8 =	simm.s32 $0x12020;
	s12 =	simm.s32 $0x12820  }
.LBB2_11:
0x60: {  	[tilespmem:v2+s19+$0x0] =	vst.idx.msk $0xffff, v1;
	s29 =	sadd.s32 $0x10, s29;
	s30 =	sadd.s32 $0x10, s30;
	s31 =	sadd.s32 $0x10, s31  }
0x61: {  	p1 =	sne.s32 s0, $0x7F0;
	s13 =	smov.u32 s0;
	s0 =	sadd.s32 $0x10, s0;
	v1 =	vld [tilespmem:s29+$0x0]  }
0x62: {  	_ =	sdelay $0x3  }
0x63: {  	(xrf1) =	vunique.msk.u32 $0xffff, v1;
	_ =	sdelay $0xa  }
0x64: {  	v2 =	vld.idx.msk [tilespmem:v1+s18+$0x0], $0xffff;
	_ =	sdelay $0x2  }
0x65: {  	_, v3, vm0 =	vpop (xrf1);
	_ =	sdelay $0x2  }
0x66: {  	v2 =	vadd.s32 v2, v3;
	v3 =	vor.u32 s13, v0  }
0x67: {  	v5 =	vshll.u32 v1, $0x9;
	v4 =	vadd.s32 $0xFFFFFFFF, v2;
	v6 =	vand.u32 $0x3F, v3  }
0x68: {  	vm1 =	vlt.s32 v4, $0x200;
	v4 =	vadd.s32 v5, v4;
	v5 =	vor.u32 $0x100000, v6  }
0x69: {  	[tilespmem:v1+s18+$0x0] =	vst.idx.msk vm0, v2;
	v1 =	vnsel vm1, $0xFFFFFFFF, v4;
	v2 =	vsel vm1, v4, v5  }
0x6a: {  	[tilespmem:s30+$0x0] =	vst v1  }
0x6b: {  	[tilespmem:s31+$0x0] =	vst v2  }
0x6c: {  	v2 =	vshll.u32 v3, $0x4;
	v1 =	vld [tilespmem:s4+$0x0];
	_ =	sdelay $0x4  }
0x6d: {  	[tilespmem:v2+s19+$0x0] =	vst.idx.msk $0xffff, v1  }
0x6e: {  	v3 =	vor.u32 $0x1, v2;
	v1 =	vld [tilespmem:s8+$0x0];
	_ =	sdelay $0x4  }
0x6f: {  	[tilespmem:v3+s19+$0x0] =	vst.idx.msk $0xffff, v1  }
.Ltmp6:
0x70: {  	v2 =	vor.u32 $0x2, v2;
	v1 =	vld [tilespmem:s12+$0x0];
	(pc) =	sbr.rel @p1 .LBB2_11-.Ltmp6, $2  }
0x71: {  	_ =	sdelay $0x2  }
0x72: {  	s4 =	sadd.s32 $0x10, s4;
	s8 =	sadd.s32 $0x10, s8;
	s12 =	sadd.s32 $0x10, s12  }
0x73: {  	_ =	sdelay $0x3  }
0x74: {  	[tilespmem:v2+s19+$0x0] =	vst.idx.msk $0xffff, v1  }
0x75: {  	[hbm4b:s9+s20] =	stream.indirect.scatter [tilespmem:s19], [sflag:$0x1], $0x10, s21, s20, $0xb8;
	[tilespmem:$0x1C010] =	vst v63  }
0x76: {  	s26 =	sadd.s32 $0x1, s26;
	_ =	swait.ge [sflag:s22], $0x8000  }
0x77: {  	p1 =	sne.s32 s26, $0x10;
	[sflag:s22] =	ssyncset.done $0x0  }
.Ltmp7:
0x78: {  	s0 =	sadd.s32 s2, s28;
	[sflag:s22] =	ssyncadd.s32 $0xFFFF8000;
	(pc) =	sbr.rel @p1 .LBB2_10-.Ltmp7, $4  }
0x79: {  	[hbm4b:s0+s3] =	stream.linear.scatter [tilespmem:s23], [sflag:$0x2], $0x800, $0x38;
	[tilespmem:$0x1C010] =	vst v63  }
0x7a: {  	_ =	swait.ge [sflag:s17], $0x800  }
0x7b: {  	[sflag:s17] =	ssyncset.done $0x0  }
0x7c: {  	[sflag:s17] =	ssyncadd.s32 $0xFFFFF800  }
0x7d: {  	s24 =	sadd.s32 $0x1, s24  }
0x7e: {  	p1 =	sne.s32 s24, s14  }
.Ltmp8:
0x7f: {  	_ = 	snop;
	(pc) =	sbr.rel @p1 .LBB2_1-.Ltmp8, $1  }
0x80: {  	_ =	sdelay $0x3  }
0x81: {  	_ =	sfence.sel $0x180000  }
0x82: {  	[bflag:$0x0] =	sbarrier.arrive $0xFFFF  }
0x83: {  	_ =	strace $0x9000004A  }
0x84: {  	s0 =	stileid.u32;
	[bflag:$0x2] =	sbarrier.arrive $0xFFFF  }
0x85: {  	p0 =	sne.s32 s0, $0x0;
	s0 =	rddreg [dreg:$0x4]  }
0x86: {  	s0 =	sadd.s32 @!p0 $0x100000, s0  }
0x87: {  	[sflag:s0] =	ssyncadd.tile.s32 @!p0 $0x1;
	_ =	shalt  }
.Lfunc_end2:
_tile_overlayer_lowered:
.L_overlay_start_2:
0x88: {  	(tag) =	ssettag $0x2  }
0x89: {  	s0 =	rddreg [dreg:$0x0];
	s2 =	stileid.u32  }
0x8a: {  	s1 =	rddreg [dreg:$0x1];
	p0 =	sne.s32 s2, $0x0  }
0x8b: {  	s3 =	rddreg [dreg:$0x2];
	[bflag:$0x3] =	sbarrier.arrive $0xFFFF;
	s2 =	simm.s32 @!p0 $0x1C02  }
0x8c: {  	[timem:s3], [sflag:s2] =	dma.local @!p0 [hbm:s0], s1  }
0x8d: {  	s0 =	simm.s32 @!p0 $0x2  }
0x8e: {  	_ =	swait.ge @!p0 [sflag:s0], s1  }
0x8f: {  	s1 =	ssub.s32 @!p0 $0x0, s1;
	[sflag:s0] =	ssyncset.done @!p0 $0x0  }
0x90: {  	[sflag:s0] =	ssyncadd.s32 @!p0 s1  }
0x91: {  	[bflag:$0x3] =	sbarrier.arrive $0xFFFF  }
0x92: {  	_ =	shalt  }

</sc_bundles>
